<compile_context>
chip_gen: v7x
topology: tpu7x:2x2x1
jax: 0.10.2.dev20260603
libtpu: 0.0.44.dev20260713+nightly
codegen_flags: <defaults>
</compile_context>

<pallas_src>
import functools

import jax
import jax.numpy as jnp
from jax import lax
from jax.experimental import pallas as pl
from jax.experimental.pallas import tpu as pltpu
from jax.experimental.pallas import tpu_sc as plsc

L = 16
NC, NS = 2, 16
NW = NC * NS
TABLE_SIZE = 128
N_CHUNKS = 16
IN_DEPTH = 4
OUT_DEPTH = 4


def _make_sc_lookup(n_total: int, n_keys: int):
    per_w = n_total // NW
    chunk = per_w // N_CHUNKS
    mesh = plsc.VectorSubcoreMesh(core_axis_name="c", subcore_axis_name="s")

    @functools.partial(
        pl.kernel,
        mesh=mesh,
        out_type=jax.ShapeDtypeStruct((n_total,), jnp.int32),
        scratch_types=[
            [pltpu.VMEM((chunk,), jnp.int32) for _ in range(IN_DEPTH)],
            [pltpu.VMEM((chunk,), jnp.int32) for _ in range(OUT_DEPTH)],
            pltpu.VMEM((TABLE_SIZE,), jnp.int32),
            pltpu.VMEM((TABLE_SIZE,), jnp.int32),
            pltpu.VMEM((TABLE_SIZE,), jnp.int32),
            [pltpu.SemaphoreType.DMA for _ in range(IN_DEPTH)],
            [pltpu.SemaphoreType.DMA for _ in range(OUT_DEPTH)],
        ],
        compiler_params=pltpu.CompilerParams(needs_layout_passes=False),
    )
    def lookup(ids_hbm, keys_hbm, vals_hbm, out_hbm,
               ibufs, obufs, inv, kbuf, vbuf, in_sems, out_sems):
        wid = lax.axis_index("s") * NC + lax.axis_index("c")
        base = wid * per_w

        def in_copy_d(c, slot):
            return pltpu.make_async_copy(
                ids_hbm.at[pl.ds(base + c * chunk, chunk)],
                ibufs[slot], in_sems[slot])

        def out_copy_d(c, slot):
            return pltpu.make_async_copy(
                obufs[slot],
                out_hbm.at[pl.ds(base + c * chunk, chunk)],
                out_sems[slot])

        for c in range(IN_DEPTH):
            in_copy_d(c, c).start()
        for i in range(TABLE_SIZE // L):
            sl = pl.ds(i * L, L)
            kbuf[sl] = jnp.full((L,), TABLE_SIZE - 1, jnp.int32)
            vbuf[sl] = jnp.zeros((L,), jnp.int32)
            inv[sl] = jnp.zeros((L,), jnp.int32)
        pltpu.sync_copy(keys_hbm, kbuf.at[pl.ds(0, n_keys)])
        pltpu.sync_copy(vals_hbm, vbuf.at[pl.ds(0, n_keys)])
        for i in range(TABLE_SIZE // L):
            sl = pl.ds(i * L, L)
            plsc.store_scatter(inv, [kbuf[sl]], vbuf[sl])

        @pl.loop(0, N_CHUNKS, step=IN_DEPTH)
        def _(g):
            for j in range(IN_DEPTH):
                c = g + j
                in_copy_d(c, j).wait()
                @pl.when(c >= OUT_DEPTH)
                def _():
                    out_copy_d(c - OUT_DEPTH, j).wait()
                ibuf, obuf = ibufs[j], obufs[j]

                @plsc.parallel_loop(0, chunk, step=L, unroll=8)
                def _(off):
                    sl = pl.ds(off, L)
                    obuf[sl] = plsc.load_gather(inv, [ibuf[sl]])

                out_copy_d(c, j).start()
                @pl.when(c + IN_DEPTH < N_CHUNKS)
                def _():
                    in_copy_d(c + IN_DEPTH, j).start()

        for j in range(OUT_DEPTH):
            out_copy_d(N_CHUNKS - OUT_DEPTH + j, j).wait()

    return lookup


def kernel(inputs, keys, vals):
    batch, hist = inputs.shape
    n_total = batch * hist
    ht, bt = hist // 8, batch // 128
    flat = (inputs.T.reshape(ht, 8, bt, 128)
            .transpose(0, 2, 1, 3).reshape(n_total))
    out = _make_sc_lookup(n_total, keys.shape[0])(
        flat, keys.astype(jnp.int32), vals.astype(jnp.int32))
    return (out.reshape(ht, bt, 8, 128).transpose(0, 2, 1, 3)
            .reshape(hist, batch).T)

# --- scband reference (transcript-rebuilt; emitter-appended) ---
"""Pipeline reference for scband-vocab-layer-54589034332698 (READ-ONLY COPY).

The authoritative reference and input builder live on the scoring server;
editing this copy changes nothing except your own understanding.
"""

import jax, jax.numpy as jnp
import numpy as np

NUM_KEYS = 100      # len(keys) in __init__
INPUT_MAX = 120     # exclusive upper bound on input ids (some OOV)
BATCH, HIST = 16384, 200


def setup_inputs(seed: int = 0) -> dict:
    key = jax.random.key(seed)
    # forward input: integer ids, some of which are OOV w.r.t. the vocab table
    inputs = jax.random.randint(key, (BATCH, HIST), 0, INPUT_MAX, dtype=jnp.int32)
    # materialize the StaticHashTable contents: keys -> vals (1..len(keys)), default 0
    keys = jnp.arange(NUM_KEYS, dtype=jnp.int32)
    vals = jnp.arange(1, NUM_KEYS + 1, dtype=jnp.int32)
    return {"inputs": inputs, "keys": keys, "vals": vals}


def reference(inputs, keys, vals):
    # Faithful emulation of tf.lookup.StaticHashTable(keys -> 1..V, default 0).lookup(inputs).
    # Keys are non-negative ints, so the hash table is equivalent to a dense
    # inverse-index array: inv[k] = position(k) + 1, everything else -> 0.
    table_size = INPUT_MAX + 8  # covers all possible input values
    inv = jnp.zeros((table_size,), dtype=jnp.int32).at[keys].set(vals)
    in_range = (inputs >= 0) & (inputs < table_size)
    safe_idx = jnp.clip(inputs, 0, table_size - 1)
    out = jnp.where(in_range, jnp.take(inv, safe_idx), jnp.int32(0))
    return out


if False:  # reference __main__ guard neutralized (emitter)
    inp = setup_inputs()
    out = reference(**inp)
    print(out.shape, out.dtype, out.min(), out.max())

if __name__ == "__main__":
    import jax
    _d = setup_inputs()
    print(jax.jit(kernel)(*tuple(_d.values())))

</pallas_src>

<mosaic_0001>
#map = affine_map<(d0, d1) -> (0)>
module attributes {stable_mosaic.version = 14 : i64} {
  func.func @lookup(%arg0: i32, %arg1: i32, %arg2: memref<3276800xi32, #tpu.memory_space<hbm>>, %arg3: memref<100xi32, #tpu.memory_space<hbm>>, %arg4: memref<100xi32, #tpu.memory_space<hbm>>, %arg5: memref<3276800xi32, #tpu.memory_space<hbm>>, %arg6: memref<6400xi32, #tpu.memory_space<vmem>>, %arg7: memref<6400xi32, #tpu.memory_space<vmem>>, %arg8: memref<6400xi32, #tpu.memory_space<vmem>>, %arg9: memref<6400xi32, #tpu.memory_space<vmem>>, %arg10: memref<6400xi32, #tpu.memory_space<vmem>>, %arg11: memref<6400xi32, #tpu.memory_space<vmem>>, %arg12: memref<6400xi32, #tpu.memory_space<vmem>>, %arg13: memref<6400xi32, #tpu.memory_space<vmem>>, %arg14: memref<128xi32, #tpu.memory_space<vmem>>, %arg15: memref<128xi32, #tpu.memory_space<vmem>>, %arg16: memref<128xi32, #tpu.memory_space<vmem>>, %arg17: memref<!tpu.dma_semaphore, #tpu.memory_space<semaphore_mem>>, %arg18: memref<!tpu.dma_semaphore, #tpu.memory_space<semaphore_mem>>, %arg19: memref<!tpu.dma_semaphore, #tpu.memory_space<semaphore_mem>>, %arg20: memref<!tpu.dma_semaphore, #tpu.memory_space<semaphore_mem>>, %arg21: memref<!tpu.dma_semaphore, #tpu.memory_space<semaphore_mem>>, %arg22: memref<!tpu.dma_semaphore, #tpu.memory_space<semaphore_mem>>, %arg23: memref<!tpu.dma_semaphore, #tpu.memory_space<semaphore_mem>>, %arg24: memref<!tpu.dma_semaphore, #tpu.memory_space<semaphore_mem>>) attributes {dimension_semantics = [#tpu.dimension_semantics<core_parallel>, #tpu.dimension_semantics<subcore_parallel>], iteration_bounds = array<i64: 2, 16>, scalar_prefetch = 0 : i64, scratch_operands = 19 : i64, tpu.core_type = #tpu.core_type<sc_vector_subcore>, window_params = [{transform_indices = #map}, {transform_indices = #map}, {transform_indices = #map}, {transform_indices = #map}]} {
    %mul3A = arith.constant 2 : i32
    %mul3A_0 = arith.muli %arg1, %mul3A : i32
    %add3A = arith.addi %mul3A_0, %arg0 : i32
    %mul3A_1 = arith.constant 102400 : i32
    %mul3A_2 = arith.muli %add3A, %mul3A_1 : i32
    %add3A_3 = arith.constant 0 : i32
    %add3A_4 = arith.addi %mul3A_2, %add3A_3 : i32
    %dma_start3A = tpu.memref_slice %arg2[%add3A_4] : memref<3276800xi32, #tpu.memory_space<hbm>> -> memref<6400xi32, #tpu.memory_space<hbm>>
    %dma_start3A_5 = tpu.memref_slice %arg2[%add3A_4] : memref<3276800xi32, #tpu.memory_space<hbm>> -> memref<6400xi32, #tpu.memory_space<hbm>>
    tpu.enqueue_dma source(%dma_start3A_5 : memref<6400xi32, #tpu.memory_space<hbm>>) target(%arg6 : memref<6400xi32, #tpu.memory_space<vmem>>) target_semaphore(%arg17 : memref<!tpu.dma_semaphore, #tpu.memory_space<semaphore_mem>>)
    %add3A_6 = arith.constant 6400 : i32
    %add3A_7 = arith.addi %mul3A_2, %add3A_6 : i32
    %dma_start3A_8 = tpu.memref_slice %arg2[%add3A_7] : memref<3276800xi32, #tpu.memory_space<hbm>> -> memref<6400xi32, #tpu.memory_space<hbm>>
    %dma_start3A_9 = tpu.memref_slice %arg2[%add3A_7] : memref<3276800xi32, #tpu.memory_space<hbm>> -> memref<6400xi32, #tpu.memory_space<hbm>>
    tpu.enqueue_dma source(%dma_start3A_9 : memref<6400xi32, #tpu.memory_space<hbm>>) target(%arg7 : memref<6400xi32, #tpu.memory_space<vmem>>) target_semaphore(%arg18 : memref<!tpu.dma_semaphore, #tpu.memory_space<semaphore_mem>>)
    %add3A_10 = arith.constant 12800 : i32
    %add3A_11 = arith.addi %mul3A_2, %add3A_10 : i32
    %dma_start3A_12 = tpu.memref_slice %arg2[%add3A_11] : memref<3276800xi32, #tpu.memory_space<hbm>> -> memref<6400xi32, #tpu.memory_space<hbm>>
    %dma_start3A_13 = tpu.memref_slice %arg2[%add3A_11] : memref<3276800xi32, #tpu.memory_space<hbm>> -> memref<6400xi32, #tpu.memory_space<hbm>>
    tpu.enqueue_dma source(%dma_start3A_13 : memref<6400xi32, #tpu.memory_space<hbm>>) target(%arg8 : memref<6400xi32, #tpu.memory_space<vmem>>) target_semaphore(%arg19 : memref<!tpu.dma_semaphore, #tpu.memory_space<semaphore_mem>>)
    %add3A_14 = arith.constant 19200 : i32
    %add3A_15 = arith.addi %mul3A_2, %add3A_14 : i32
    %dma_start3A_16 = tpu.memref_slice %arg2[%add3A_15] : memref<3276800xi32, #tpu.memory_space<hbm>> -> memref<6400xi32, #tpu.memory_space<hbm>>
    %dma_start3A_17 = tpu.memref_slice %arg2[%add3A_15] : memref<3276800xi32, #tpu.memory_space<hbm>> -> memref<6400xi32, #tpu.memory_space<hbm>>
    tpu.enqueue_dma source(%dma_start3A_17 : memref<6400xi32, #tpu.memory_space<hbm>>) target(%arg9 : memref<6400xi32, #tpu.memory_space<vmem>>) target_semaphore(%arg20 : memref<!tpu.dma_semaphore, #tpu.memory_space<semaphore_mem>>)
    %broadcast_in_dim3A = arith.constant 127 : i32
    %broadcast_in_dim3A_18 = vector.broadcast %broadcast_in_dim3A : i32 to vector<16xi32>
    %swap3A = arith.constant 0 : index
    %swap3A_19 = tpu.vector_load %arg15[%swap3A] {strides = array<i32>} : memref<128xi32, #tpu.memory_space<vmem>>, vector<16xi32>,
    tpu.vector_store %arg15[%swap3A], %broadcast_in_dim3A_18 {strides = array<i32>} : memref<128xi32, #tpu.memory_space<vmem>>, vector<16xi32>,
    %broadcast_in_dim3A_20 = arith.constant 0 : i32
    %broadcast_in_dim3A_21 = vector.broadcast %broadcast_in_dim3A_20 : i32 to vector<16xi32>
    %swap3A_22 = arith.constant 0 : index
    %swap3A_23 = tpu.vector_load %arg16[%swap3A_22] {strides = array<i32>} : memref<128xi32, #tpu.memory_space<vmem>>, vector<16xi32>,
    tpu.vector_store %arg16[%swap3A_22], %broadcast_in_dim3A_21 {strides = array<i32>} : memref<128xi32, #tpu.memory_space<vmem>>, vector<16xi32>,
    %broadcast_in_dim3A_24 = arith.constant 0 : i32
    %broadcast_in_dim3A_25 = vector.broadcast %broadcast_in_dim3A_24 : i32 to vector<16xi32>
    %swap3A_26 = arith.constant 0 : index
    %swap3A_27 = tpu.vector_load %arg14[%swap3A_26] {strides = array<i32>} : memref<128xi32, #tpu.memory_space<vmem>>, vector<16xi32>,
    tpu.vector_store %arg14[%swap3A_26], %broadcast_in_dim3A_25 {strides = array<i32>} : memref<128xi32, #tpu.memory_space<vmem>>, vector<16xi32>,
    %broadcast_in_dim3A_28 = arith.constant 127 : i32
    %broadcast_in_dim3A_29 = vector.broadcast %broadcast_in_dim3A_28 : i32 to vector<16xi32>
    %swap3A_30 = arith.constant 16 : index
    %swap3A_31 = tpu.vector_load %arg15[%swap3A_30] {strides = array<i32>} : memref<128xi32, #tpu.memory_space<vmem>>, vector<16xi32>,
    tpu.vector_store %arg15[%swap3A_30], %broadcast_in_dim3A_29 {strides = array<i32>} : memref<128xi32, #tpu.memory_space<vmem>>, vector<16xi32>,
    %broadcast_in_dim3A_32 = arith.constant 0 : i32
    %broadcast_in_dim3A_33 = vector.broadcast %broadcast_in_dim3A_32 : i32 to vector<16xi32>
    %swap3A_34 = arith.constant 16 : index
    %swap3A_35 = tpu.vector_load %arg16[%swap3A_34] {strides = array<i32>} : memref<128xi32, #tpu.memory_space<vmem>>, vector<16xi32>,
    tpu.vector_store %arg16[%swap3A_34], %broadcast_in_dim3A_33 {strides = array<i32>} : memref<128xi32, #tpu.memory_space<vmem>>, vector<16xi32>,
    %broadcast_in_dim3A_36 = arith.constant 0 : i32
    %broadcast_in_dim3A_37 = vector.broadcast %broadcast_in_dim3A_36 : i32 to vector<16xi32>
    %swap3A_38 = arith.constant 16 : index
    %swap3A_39 = tpu.vector_load %arg14[%swap3A_38] {strides = array<i32>} : memref<128xi32, #tpu.memory_space<vmem>>, vector<16xi32>,
    tpu.vector_store %arg14[%swap3A_38], %broadcast_in_dim3A_37 {strides = array<i32>} : memref<128xi32, #tpu.memory_space<vmem>>, vector<16xi32>,
    %broadcast_in_dim3A_40 = arith.constant 127 : i32
    %broadcast_in_dim3A_41 = vector.broadcast %broadcast_in_dim3A_40 : i32 to vector<16xi32>
    %swap3A_42 = arith.constant 32 : index
    %swap3A_43 = tpu.vector_load %arg15[%swap3A_42] {strides = array<i32>} : memref<128xi32, #tpu.memory_space<vmem>>, vector<16xi32>,
    tpu.vector_store %arg15[%swap3A_42], %broadcast_in_dim3A_41 {strides = array<i32>} : memref<128xi32, #tpu.memory_space<vmem>>, vector<16xi32>,
    %broadcast_in_dim3A_44 = arith.constant 0 : i32
    %broadcast_in_dim3A_45 = vector.broadcast %broadcast_in_dim3A_44 : i32 to vector<16xi32>
    %swap3A_46 = arith.constant 32 : index
    %swap3A_47 = tpu.vector_load %arg16[%swap3A_46] {strides = array<i32>} : memref<128xi32, #tpu.memory_space<vmem>>, vector<16xi32>,
    tpu.vector_store %arg16[%swap3A_46], %broadcast_in_dim3A_45 {strides = array<i32>} : memref<128xi32, #tpu.memory_space<vmem>>, vector<16xi32>,
    %broadcast_in_dim3A_48 = arith.constant 0 : i32
    %broadcast_in_dim3A_49 = vector.broadcast %broadcast_in_dim3A_48 : i32 to vector<16xi32>
    %swap3A_50 = arith.constant 32 : index
    %swap3A_51 = tpu.vector_load %arg14[%swap3A_50] {strides = array<i32>} : memref<128xi32, #tpu.memory_space<vmem>>, vector<16xi32>,
    tpu.vector_store %arg14[%swap3A_50], %broadcast_in_dim3A_49 {strides = array<i32>} : memref<128xi32, #tpu.memory_space<vmem>>, vector<16xi32>,
    %broadcast_in_dim3A_52 = arith.constant 127 : i32
    %broadcast_in_dim3A_53 = vector.broadcast %broadcast_in_dim3A_52 : i32 to vector<16xi32>
    %swap3A_54 = arith.constant 48 : index
    %swap3A_55 = tpu.vector_load %arg15[%swap3A_54] {strides = array<i32>} : memref<128xi32, #tpu.memory_space<vmem>>, vector<16xi32>,
    tpu.vector_store %arg15[%swap3A_54], %broadcast_in_dim3A_53 {strides = array<i32>} : memref<128xi32, #tpu.memory_space<vmem>>, vector<16xi32>,
    %broadcast_in_dim3A_56 = arith.constant 0 : i32
    %broadcast_in_dim3A_57 = vector.broadcast %broadcast_in_dim3A_56 : i32 to vector<16xi32>
    %swap3A_58 = arith.constant 48 : index
    %swap3A_59 = tpu.vector_load %arg16[%swap3A_58] {strides = array<i32>} : memref<128xi32, #tpu.memory_space<vmem>>, vector<16xi32>,
    tpu.vector_store %arg16[%swap3A_58], %broadcast_in_dim3A_57 {strides = array<i32>} : memref<128xi32, #tpu.memory_space<vmem>>, vector<16xi32>,
    %broadcast_in_dim3A_60 = arith.constant 0 : i32
    %broadcast_in_dim3A_61 = vector.broadcast %broadcast_in_dim3A_60 : i32 to vector<16xi32>
    %swap3A_62 = arith.constant 48 : index
    %swap3A_63 = tpu.vector_load %arg14[%swap3A_62] {strides = array<i32>} : memref<128xi32, #tpu.memory_space<vmem>>, vector<16xi32>,
    tpu.vector_store %arg14[%swap3A_62], %broadcast_in_dim3A_61 {strides = array<i32>} : memref<128xi32, #tpu.memory_space<vmem>>, vector<16xi32>,
    %broadcast_in_dim3A_64 = arith.constant 127 : i32
    %broadcast_in_dim3A_65 = vector.broadcast %broadcast_in_dim3A_64 : i32 to vector<16xi32>
    %swap3A_66 = arith.constant 64 : index
    %swap3A_67 = tpu.vector_load %arg15[%swap3A_66] {strides = array<i32>} : memref<128xi32, #tpu.memory_space<vmem>>, vector<16xi32>,
    tpu.vector_store %arg15[%swap3A_66], %broadcast_in_dim3A_65 {strides = array<i32>} : memref<128xi32, #tpu.memory_space<vmem>>, vector<16xi32>,
    %broadcast_in_dim3A_68 = arith.constant 0 : i32
    %broadcast_in_dim3A_69 = vector.broadcast %broadcast_in_dim3A_68 : i32 to vector<16xi32>
    %swap3A_70 = arith.constant 64 : index
    %swap3A_71 = tpu.vector_load %arg16[%swap3A_70] {strides = array<i32>} : memref<128xi32, #tpu.memory_space<vmem>>, vector<16xi32>,
    tpu.vector_store %arg16[%swap3A_70], %broadcast_in_dim3A_69 {strides = array<i32>} : memref<128xi32, #tpu.memory_space<vmem>>, vector<16xi32>,
    %broadcast_in_dim3A_72 = arith.constant 0 : i32
    %broadcast_in_dim3A_73 = vector.broadcast %broadcast_in_dim3A_72 : i32 to vector<16xi32>
    %swap3A_74 = arith.constant 64 : index
    %swap3A_75 = tpu.vector_load %arg14[%swap3A_74] {strides = array<i32>} : memref<128xi32, #tpu.memory_space<vmem>>, vector<16xi32>,
    tpu.vector_store %arg14[%swap3A_74], %broadcast_in_dim3A_73 {strides = array<i32>} : memref<128xi32, #tpu.memory_space<vmem>>, vector<16xi32>,
    %broadcast_in_dim3A_76 = arith.constant 127 : i32
    %broadcast_in_dim3A_77 = vector.broadcast %broadcast_in_dim3A_76 : i32 to vector<16xi32>
    %swap3A_78 = arith.constant 80 : index
    %swap3A_79 = tpu.vector_load %arg15[%swap3A_78] {strides = array<i32>} : memref<128xi32, #tpu.memory_space<vmem>>, vector<16xi32>,
    tpu.vector_store %arg15[%swap3A_78], %broadcast_in_dim3A_77 {strides = array<i32>} : memref<128xi32, #tpu.memory_space<vmem>>, vector<16xi32>,
    %broadcast_in_dim3A_80 = arith.constant 0 : i32
    %broadcast_in_dim3A_81 = vector.broadcast %broadcast_in_dim3A_80 : i32 to vector<16xi32>
    %swap3A_82 = arith.constant 80 : index
    %swap3A_83 = tpu.vector_load %arg16[%swap3A_82] {strides = array<i32>} : memref<128xi32, #tpu.memory_space<vmem>>, vector<16xi32>,
    tpu.vector_store %arg16[%swap3A_82], %broadcast_in_dim3A_81 {strides = array<i32>} : memref<128xi32, #tpu.memory_space<vmem>>, vector<16xi32>,
    %broadcast_in_dim3A_84 = arith.constant 0 : i32
    %broadcast_in_dim3A_85 = vector.broadcast %broadcast_in_dim3A_84 : i32 to vector<16xi32>
    %swap3A_86 = arith.constant 80 : index
    %swap3A_87 = tpu.vector_load %arg14[%swap3A_86] {strides = array<i32>} : memref<128xi32, #tpu.memory_space<vmem>>, vector<16xi32>,
    tpu.vector_store %arg14[%swap3A_86], %broadcast_in_dim3A_85 {strides = array<i32>} : memref<128xi32, #tpu.memory_space<vmem>>, vector<16xi32>,
    %broadcast_in_dim3A_88 = arith.constant 127 : i32
    %broadcast_in_dim3A_89 = vector.broadcast %broadcast_in_dim3A_88 : i32 to vector<16xi32>
    %swap3A_90 = arith.constant 96 : index
    %swap3A_91 = tpu.vector_load %arg15[%swap3A_90] {strides = array<i32>} : memref<128xi32, #tpu.memory_space<vmem>>, vector<16xi32>,
    tpu.vector_store %arg15[%swap3A_90], %broadcast_in_dim3A_89 {strides = array<i32>} : memref<128xi32, #tpu.memory_space<vmem>>, vector<16xi32>,
    %broadcast_in_dim3A_92 = arith.constant 0 : i32
    %broadcast_in_dim3A_93 = vector.broadcast %broadcast_in_dim3A_92 : i32 to vector<16xi32>
    %swap3A_94 = arith.constant 96 : index
    %swap3A_95 = tpu.vector_load %arg16[%swap3A_94] {strides = array<i32>} : memref<128xi32, #tpu.memory_space<vmem>>, vector<16xi32>,
    tpu.vector_store %arg16[%swap3A_94], %broadcast_in_dim3A_93 {strides = array<i32>} : memref<128xi32, #tpu.memory_space<vmem>>, vector<16xi32>,
    %broadcast_in_dim3A_96 = arith.constant 0 : i32
    %broadcast_in_dim3A_97 = vector.broadcast %broadcast_in_dim3A_96 : i32 to vector<16xi32>
    %swap3A_98 = arith.constant 96 : index
    %swap3A_99 = tpu.vector_load %arg14[%swap3A_98] {strides = array<i32>} : memref<128xi32, #tpu.memory_space<vmem>>, vector<16xi32>,
    tpu.vector_store %arg14[%swap3A_98], %broadcast_in_dim3A_97 {strides = array<i32>} : memref<128xi32, #tpu.memory_space<vmem>>, vector<16xi32>,
    %broadcast_in_dim3A_100 = arith.constant 127 : i32
    %broadcast_in_dim3A_101 = vector.broadcast %broadcast_in_dim3A_100 : i32 to vector<16xi32>
    %swap3A_102 = arith.constant 112 : index
    %swap3A_103 = tpu.vector_load %arg15[%swap3A_102] {strides = array<i32>} : memref<128xi32, #tpu.memory_space<vmem>>, vector<16xi32>,
    tpu.vector_store %arg15[%swap3A_102], %broadcast_in_dim3A_101 {strides = array<i32>} : memref<128xi32, #tpu.memory_space<vmem>>, vector<16xi32>,
    %broadcast_in_dim3A_104 = arith.constant 0 : i32
    %broadcast_in_dim3A_105 = vector.broadcast %broadcast_in_dim3A_104 : i32 to vector<16xi32>
    %swap3A_106 = arith.constant 112 : index
    %swap3A_107 = tpu.vector_load %arg16[%swap3A_106] {strides = array<i32>} : memref<128xi32, #tpu.memory_space<vmem>>, vector<16xi32>,
    tpu.vector_store %arg16[%swap3A_106], %broadcast_in_dim3A_105 {strides = array<i32>} : memref<128xi32, #tpu.memory_space<vmem>>, vector<16xi32>,
    %broadcast_in_dim3A_108 = arith.constant 0 : i32
    %broadcast_in_dim3A_109 = vector.broadcast %broadcast_in_dim3A_108 : i32 to vector<16xi32>
    %swap3A_110 = arith.constant 112 : index
    %swap3A_111 = tpu.vector_load %arg14[%swap3A_110] {strides = array<i32>} : memref<128xi32, #tpu.memory_space<vmem>>, vector<16xi32>,
    tpu.vector_store %arg14[%swap3A_110], %broadcast_in_dim3A_109 {strides = array<i32>} : memref<128xi32, #tpu.memory_space<vmem>>, vector<16xi32>,
    "tpu.region"() ({
      %run_scoped3A = tpu.sem_alloc : memref<!tpu.dma_semaphore, #tpu.memory_space<semaphore_mem>>
      %dma_start3A_162 = arith.constant 0 : i32
      %dma_start3A_163 = tpu.memref_slice %arg15[%dma_start3A_162] : memref<128xi32, #tpu.memory_space<vmem>> -> memref<100xi32, #tpu.memory_space<vmem>>
      %dma_start3A_164 = arith.constant 0 : i32
      %dma_start3A_165 = tpu.memref_slice %arg15[%dma_start3A_164] : memref<128xi32, #tpu.memory_space<vmem>> -> memref<100xi32, #tpu.memory_space<vmem>>
      tpu.enqueue_dma source(%arg3 : memref<100xi32, #tpu.memory_space<hbm>>) target(%dma_start3A_165 : memref<100xi32, #tpu.memory_space<vmem>>) target_semaphore(%run_scoped3A : memref<!tpu.dma_semaphore, #tpu.memory_space<semaphore_mem>>)
      %dma_wait3A_166 = arith.constant 0 : i32
      %dma_wait3A_167 = tpu.memref_slice %arg15[%dma_wait3A_166] : memref<128xi32, #tpu.memory_space<vmem>> -> memref<100xi32, #tpu.memory_space<vmem>>
      %dma_wait3A_168 = arith.constant 0 : i32
      %dma_wait3A_169 = tpu.memref_slice %arg15[%dma_wait3A_168] : memref<128xi32, #tpu.memory_space<vmem>> -> memref<100xi32, #tpu.memory_space<vmem>>
      tpu.wait_dma2 semaphore(%run_scoped3A : memref<!tpu.dma_semaphore, #tpu.memory_space<semaphore_mem>>) src(%arg3 : memref<100xi32, #tpu.memory_space<hbm>>) dst(%dma_wait3A_169 : memref<100xi32, #tpu.memory_space<vmem>>)
      tpu.yield
    }) : () -> ()
    "tpu.region"() ({
      %run_scoped3A = tpu.sem_alloc : memref<!tpu.dma_semaphore, #tpu.memory_space<semaphore_mem>>
      %dma_start3A_162 = arith.constant 0 : i32
      %dma_start3A_163 = tpu.memref_slice %arg16[%dma_start3A_162] : memref<128xi32, #tpu.memory_space<vmem>> -> memref<100xi32, #tpu.memory_space<vmem>>
      %dma_start3A_164 = arith.constant 0 : i32
      %dma_start3A_165 = tpu.memref_slice %arg16[%dma_start3A_164] : memref<128xi32, #tpu.memory_space<vmem>> -> memref<100xi32, #tpu.memory_space<vmem>>
      tpu.enqueue_dma source(%arg4 : memref<100xi32, #tpu.memory_space<hbm>>) target(%dma_start3A_165 : memref<100xi32, #tpu.memory_space<vmem>>) target_semaphore(%run_scoped3A : memref<!tpu.dma_semaphore, #tpu.memory_space<semaphore_mem>>)
      %dma_wait3A_166 = arith.constant 0 : i32
      %dma_wait3A_167 = tpu.memref_slice %arg16[%dma_wait3A_166] : memref<128xi32, #tpu.memory_space<vmem>> -> memref<100xi32, #tpu.memory_space<vmem>>
      %dma_wait3A_168 = arith.constant 0 : i32
      %dma_wait3A_169 = tpu.memref_slice %arg16[%dma_wait3A_168] : memref<128xi32, #tpu.memory_space<vmem>> -> memref<100xi32, #tpu.memory_space<vmem>>
      tpu.wait_dma2 semaphore(%run_scoped3A : memref<!tpu.dma_semaphore, #tpu.memory_space<semaphore_mem>>) src(%arg4 : memref<100xi32, #tpu.memory_space<hbm>>) dst(%dma_wait3A_169 : memref<100xi32, #tpu.memory_space<vmem>>)
      tpu.yield
    }) : () -> ()
    %get3A = arith.constant 0 : index
    %get3A_112 = tpu.vector_load %arg15[%get3A] {strides = array<i32>} : memref<128xi32, #tpu.memory_space<vmem>>, vector<16xi32>,
    %get3A_113 = arith.constant 0 : index
    %get3A_114 = tpu.vector_load %arg16[%get3A_113] {strides = array<i32>} : memref<128xi32, #tpu.memory_space<vmem>>, vector<16xi32>,
    tpu.vector_store_idx %arg14[%get3A_112], %get3A_114 : memref<128xi32, #tpu.memory_space<vmem>>[vector<16xi32>], vector<16xi32>,
    %get3A_115 = arith.constant 16 : index
    %get3A_116 = tpu.vector_load %arg15[%get3A_115] {strides = array<i32>} : memref<128xi32, #tpu.memory_space<vmem>>, vector<16xi32>,
    %get3A_117 = arith.constant 16 : index
    %get3A_118 = tpu.vector_load %arg16[%get3A_117] {strides = array<i32>} : memref<128xi32, #tpu.memory_space<vmem>>, vector<16xi32>,
    tpu.vector_store_idx %arg14[%get3A_116], %get3A_118 : memref<128xi32, #tpu.memory_space<vmem>>[vector<16xi32>], vector<16xi32>,
    %get3A_119 = arith.constant 32 : index
    %get3A_120 = tpu.vector_load %arg15[%get3A_119] {strides = array<i32>} : memref<128xi32, #tpu.memory_space<vmem>>, vector<16xi32>,
    %get3A_121 = arith.constant 32 : index
    %get3A_122 = tpu.vector_load %arg16[%get3A_121] {strides = array<i32>} : memref<128xi32, #tpu.memory_space<vmem>>, vector<16xi32>,
    tpu.vector_store_idx %arg14[%get3A_120], %get3A_122 : memref<128xi32, #tpu.memory_space<vmem>>[vector<16xi32>], vector<16xi32>,
    %get3A_123 = arith.constant 48 : index
    %get3A_124 = tpu.vector_load %arg15[%get3A_123] {strides = array<i32>} : memref<128xi32, #tpu.memory_space<vmem>>, vector<16xi32>,
    %get3A_125 = arith.constant 48 : index
    %get3A_126 = tpu.vector_load %arg16[%get3A_125] {strides = array<i32>} : memref<128xi32, #tpu.memory_space<vmem>>, vector<16xi32>,
    tpu.vector_store_idx %arg14[%get3A_124], %get3A_126 : memref<128xi32, #tpu.memory_space<vmem>>[vector<16xi32>], vector<16xi32>,
    %get3A_127 = arith.constant 64 : index
    %get3A_128 = tpu.vector_load %arg15[%get3A_127] {strides = array<i32>} : memref<128xi32, #tpu.memory_space<vmem>>, vector<16xi32>,
    %get3A_129 = arith.constant 64 : index
    %get3A_130 = tpu.vector_load %arg16[%get3A_129] {strides = array<i32>} : memref<128xi32, #tpu.memory_space<vmem>>, vector<16xi32>,
    tpu.vector_store_idx %arg14[%get3A_128], %get3A_130 : memref<128xi32, #tpu.memory_space<vmem>>[vector<16xi32>], vector<16xi32>,
    %get3A_131 = arith.constant 80 : index
    %get3A_132 = tpu.vector_load %arg15[%get3A_131] {strides = array<i32>} : memref<128xi32, #tpu.memory_space<vmem>>, vector<16xi32>,
    %get3A_133 = arith.constant 80 : index
    %get3A_134 = tpu.vector_load %arg16[%get3A_133] {strides = array<i32>} : memref<128xi32, #tpu.memory_space<vmem>>, vector<16xi32>,
    tpu.vector_store_idx %arg14[%get3A_132], %get3A_134 : memref<128xi32, #tpu.memory_space<vmem>>[vector<16xi32>], vector<16xi32>,
    %get3A_135 = arith.constant 96 : index
    %get3A_136 = tpu.vector_load %arg15[%get3A_135] {strides = array<i32>} : memref<128xi32, #tpu.memory_space<vmem>>, vector<16xi32>,
    %get3A_137 = arith.constant 96 : index
    %get3A_138 = tpu.vector_load %arg16[%get3A_137] {strides = array<i32>} : memref<128xi32, #tpu.memory_space<vmem>>, vector<16xi32>,
    tpu.vector_store_idx %arg14[%get3A_136], %get3A_138 : memref<128xi32, #tpu.memory_space<vmem>>[vector<16xi32>], vector<16xi32>,
    %get3A_139 = arith.constant 112 : index
    %get3A_140 = tpu.vector_load %arg15[%get3A_139] {strides = array<i32>} : memref<128xi32, #tpu.memory_space<vmem>>, vector<16xi32>,
    %get3A_141 = arith.constant 112 : index
    %get3A_142 = tpu.vector_load %arg16[%get3A_141] {strides = array<i32>} : memref<128xi32, #tpu.memory_space<vmem>>, vector<16xi32>,
    tpu.vector_store_idx %arg14[%get3A_140], %get3A_142 : memref<128xi32, #tpu.memory_space<vmem>>[vector<16xi32>], vector<16xi32>,
    %scan3A = arith.constant 0 : i32
    %scan3A_143 = arith.constant 4 : i32
    %scan3A_144 = arith.addi %scan3A, %scan3A_143 : i32
    %scan3A_145 = arith.constant 1 : i32
    scf.for %scan3A_162 = %scan3A to %scan3A_144 step %scan3A_145  : i32 {
      %mul3A_163 = arith.constant 4 : i32
      %mul3A_164 = arith.muli %scan3A_162, %mul3A_163 : i32
      %add3A_165 = arith.constant 0 : i32
      %add3A_166 = arith.addi %add3A_165, %mul3A_164 : i32
      %add3A_167 = arith.constant 0 : i32
      %add3A_168 = arith.addi %add3A_166, %add3A_167 : i32
      %mul3A_169 = arith.constant 6400 : i32
      %mul3A_170 = arith.muli %add3A_168, %mul3A_169 : i32
      %add3A_171 = arith.addi %mul3A_2, %mul3A_170 : i32
      %dma_wait3A_172 = tpu.memref_slice %arg2[%add3A_171] : memref<3276800xi32, #tpu.memory_space<hbm>> -> memref<6400xi32, #tpu.memory_space<hbm>>
      %dma_wait3A_173 = tpu.memref_slice %arg2[%add3A_171] : memref<3276800xi32, #tpu.memory_space<hbm>> -> memref<6400xi32, #tpu.memory_space<hbm>>
      tpu.wait_dma2 semaphore(%arg17 : memref<!tpu.dma_semaphore, #tpu.memory_space<semaphore_mem>>) src(%dma_wait3A_173 : memref<6400xi32, #tpu.memory_space<hbm>>) dst(%arg6 : memref<6400xi32, #tpu.memory_space<vmem>>)
      %ge3A = arith.constant 4 : i32
      %ge3A_174 = arith.cmpi sge, %add3A_168, %ge3A : i32
      %convert_element_type3A = arith.extui %ge3A_174 : i1 to i32
      %cond3A = arith.constant 0 : i32
      %cond3A_175 = arith.cmpi ne, %convert_element_type3A, %cond3A : i32
      scf.if %cond3A_175 {
        %sub3A = arith.constant 4 : i32
        %sub3A_270 = arith.subi %add3A_168, %sub3A : i32
        %mul3A_271 = arith.constant 6400 : i32
        %mul3A_272 = arith.muli %sub3A_270, %mul3A_271 : i32
        %add3A_273 = arith.addi %mul3A_2, %mul3A_272 : i32
        %dma_wait3A_274 = tpu.memref_slice %arg5[%add3A_273] : memref<3276800xi32, #tpu.memory_space<hbm>> -> memref<6400xi32, #tpu.memory_space<hbm>>
        %dma_wait3A_275 = tpu.memref_slice %arg5[%add3A_273] : memref<3276800xi32, #tpu.memory_space<hbm>> -> memref<6400xi32, #tpu.memory_space<hbm>>
        tpu.wait_dma2 semaphore(%arg21 : memref<!tpu.dma_semaphore, #tpu.memory_space<semaphore_mem>>) src(%arg10 : memref<6400xi32, #tpu.memory_space<vmem>>) dst(%dma_wait3A_275 : memref<6400xi32, #tpu.memory_space<hbm>>)
      } else {
      }
      %parallel_loop3A = arith.constant 0 : i32
      %parallel_loop3A_176 = arith.constant 6400 : i32
      %parallel_loop3A_177 = arith.constant 16 : i32
      scf.for %parallel_loop3A_270 = %parallel_loop3A to %parallel_loop3A_176 step %parallel_loop3A_177  : i32 {
        %parallel_loop3A_271 = arith.index_cast %parallel_loop3A_270 : i32 to index
        %parallel_loop3A_272 = tpu.vector_load %arg6[%parallel_loop3A_271] {strides = array<i32>} : memref<6400xi32, #tpu.memory_space<vmem>>, vector<16xi32>,
        %parallel_loop3A_273 = tpu.vector_load_idx %arg14[%parallel_loop3A_272] : memref<128xi32, #tpu.memory_space<vmem>>[vector<16xi32>], vector<16xi32>,
        %parallel_loop3A_274 = arith.index_cast %parallel_loop3A_270 : i32 to index
        %parallel_loop3A_275 = tpu.vector_load %arg10[%parallel_loop3A_274] {strides = array<i32>} : memref<6400xi32, #tpu.memory_space<vmem>>, vector<16xi32>,
        tpu.vector_store %arg10[%parallel_loop3A_274], %parallel_loop3A_273 {strides = array<i32>} : memref<6400xi32, #tpu.memory_space<vmem>>, vector<16xi32>,
      } {sc.loop_unroll_factor = 8 : i64, sc.parallel_access}
      %mul3A_178 = arith.constant 6400 : i32
      %mul3A_179 = arith.muli %add3A_168, %mul3A_178 : i32
      %add3A_180 = arith.addi %mul3A_2, %mul3A_179 : i32
      %dma_start3A_181 = tpu.memref_slice %arg5[%add3A_180] : memref<3276800xi32, #tpu.memory_space<hbm>> -> memref<6400xi32, #tpu.memory_space<hbm>>
      %dma_start3A_182 = tpu.memref_slice %arg5[%add3A_180] : memref<3276800xi32, #tpu.memory_space<hbm>> -> memref<6400xi32, #tpu.memory_space<hbm>>
      tpu.enqueue_dma source(%arg10 : memref<6400xi32, #tpu.memory_space<vmem>>) target(%dma_start3A_182 : memref<6400xi32, #tpu.memory_space<hbm>>) target_semaphore(%arg21 : memref<!tpu.dma_semaphore, #tpu.memory_space<semaphore_mem>>)
      %add3A_183 = arith.constant 4 : i32
      %add3A_184 = arith.addi %add3A_168, %add3A_183 : i32
      %lt3A = arith.constant 16 : i32
      %lt3A_185 = arith.cmpi slt, %add3A_184, %lt3A : i32
      %convert_element_type3A_186 = arith.extui %lt3A_185 : i1 to i32
      %cond3A_187 = arith.constant 0 : i32
      %cond3A_188 = arith.cmpi ne, %convert_element_type3A_186, %cond3A_187 : i32
      scf.if %cond3A_188 {
        %add3A_270 = arith.constant 4 : i32
        %add3A_271 = arith.addi %add3A_168, %add3A_270 : i32
        %mul3A_272 = arith.constant 6400 : i32
        %mul3A_273 = arith.muli %add3A_271, %mul3A_272 : i32
        %add3A_274 = arith.addi %mul3A_2, %mul3A_273 : i32
        %dma_start3A_275 = tpu.memref_slice %arg2[%add3A_274] : memref<3276800xi32, #tpu.memory_space<hbm>> -> memref<6400xi32, #tpu.memory_space<hbm>>
        %dma_start3A_276 = tpu.memref_slice %arg2[%add3A_274] : memref<3276800xi32, #tpu.memory_space<hbm>> -> memref<6400xi32, #tpu.memory_space<hbm>>
        tpu.enqueue_dma source(%dma_start3A_276 : memref<6400xi32, #tpu.memory_space<hbm>>) target(%arg6 : memref<6400xi32, #tpu.memory_space<vmem>>) target_semaphore(%arg17 : memref<!tpu.dma_semaphore, #tpu.memory_space<semaphore_mem>>)
      } else {
      }
      %add3A_189 = arith.constant 1 : i32
      %add3A_190 = arith.addi %add3A_166, %add3A_189 : i32
      %mul3A_191 = arith.constant 6400 : i32
      %mul3A_192 = arith.muli %add3A_190, %mul3A_191 : i32
      %add3A_193 = arith.addi %mul3A_2, %mul3A_192 : i32
      %dma_wait3A_194 = tpu.memref_slice %arg2[%add3A_193] : memref<3276800xi32, #tpu.memory_space<hbm>> -> memref<6400xi32, #tpu.memory_space<hbm>>
      %dma_wait3A_195 = tpu.memref_slice %arg2[%add3A_193] : memref<3276800xi32, #tpu.memory_space<hbm>> -> memref<6400xi32, #tpu.memory_space<hbm>>
      tpu.wait_dma2 semaphore(%arg18 : memref<!tpu.dma_semaphore, #tpu.memory_space<semaphore_mem>>) src(%dma_wait3A_195 : memref<6400xi32, #tpu.memory_space<hbm>>) dst(%arg7 : memref<6400xi32, #tpu.memory_space<vmem>>)
      %ge3A_196 = arith.constant 4 : i32
      %ge3A_197 = arith.cmpi sge, %add3A_190, %ge3A_196 : i32
      %convert_element_type3A_198 = arith.extui %ge3A_197 : i1 to i32
      %cond3A_199 = arith.constant 0 : i32
      %cond3A_200 = arith.cmpi ne, %convert_element_type3A_198, %cond3A_199 : i32
      scf.if %cond3A_200 {
        %sub3A = arith.constant 4 : i32
        %sub3A_270 = arith.subi %add3A_190, %sub3A : i32
        %mul3A_271 = arith.constant 6400 : i32
        %mul3A_272 = arith.muli %sub3A_270, %mul3A_271 : i32
        %add3A_273 = arith.addi %mul3A_2, %mul3A_272 : i32
        %dma_wait3A_274 = tpu.memref_slice %arg5[%add3A_273] : memref<3276800xi32, #tpu.memory_space<hbm>> -> memref<6400xi32, #tpu.memory_space<hbm>>
        %dma_wait3A_275 = tpu.memref_slice %arg5[%add3A_273] : memref<3276800xi32, #tpu.memory_space<hbm>> -> memref<6400xi32, #tpu.memory_space<hbm>>
        tpu.wait_dma2 semaphore(%arg22 : memref<!tpu.dma_semaphore, #tpu.memory_space<semaphore_mem>>) src(%arg11 : memref<6400xi32, #tpu.memory_space<vmem>>) dst(%dma_wait3A_275 : memref<6400xi32, #tpu.memory_space<hbm>>)
      } else {
      }
      %parallel_loop3A_201 = arith.constant 0 : i32
      %parallel_loop3A_202 = arith.constant 6400 : i32
      %parallel_loop3A_203 = arith.constant 16 : i32
      scf.for %parallel_loop3A_270 = %parallel_loop3A_201 to %parallel_loop3A_202 step %parallel_loop3A_203  : i32 {
        %parallel_loop3A_271 = arith.index_cast %parallel_loop3A_270 : i32 to index
        %parallel_loop3A_272 = tpu.vector_load %arg7[%parallel_loop3A_271] {strides = array<i32>} : memref<6400xi32, #tpu.memory_space<vmem>>, vector<16xi32>,
        %parallel_loop3A_273 = tpu.vector_load_idx %arg14[%parallel_loop3A_272] : memref<128xi32, #tpu.memory_space<vmem>>[vector<16xi32>], vector<16xi32>,
        %parallel_loop3A_274 = arith.index_cast %parallel_loop3A_270 : i32 to index
        %parallel_loop3A_275 = tpu.vector_load %arg11[%parallel_loop3A_274] {strides = array<i32>} : memref<6400xi32, #tpu.memory_space<vmem>>, vector<16xi32>,
        tpu.vector_store %arg11[%parallel_loop3A_274], %parallel_loop3A_273 {strides = array<i32>} : memref<6400xi32, #tpu.memory_space<vmem>>, vector<16xi32>,
      } {sc.loop_unroll_factor = 8 : i64, sc.parallel_access}
      %mul3A_204 = arith.constant 6400 : i32
      %mul3A_205 = arith.muli %add3A_190, %mul3A_204 : i32
      %add3A_206 = arith.addi %mul3A_2, %mul3A_205 : i32
      %dma_start3A_207 = tpu.memref_slice %arg5[%add3A_206] : memref<3276800xi32, #tpu.memory_space<hbm>> -> memref<6400xi32, #tpu.memory_space<hbm>>
      %dma_start3A_208 = tpu.memref_slice %arg5[%add3A_206] : memref<3276800xi32, #tpu.memory_space<hbm>> -> memref<6400xi32, #tpu.memory_space<hbm>>
      tpu.enqueue_dma source(%arg11 : memref<6400xi32, #tpu.memory_space<vmem>>) target(%dma_start3A_208 : memref<6400xi32, #tpu.memory_space<hbm>>) target_semaphore(%arg22 : memref<!tpu.dma_semaphore, #tpu.memory_space<semaphore_mem>>)
      %add3A_209 = arith.constant 4 : i32
      %add3A_210 = arith.addi %add3A_190, %add3A_209 : i32
      %lt3A_211 = arith.constant 16 : i32
      %lt3A_212 = arith.cmpi slt, %add3A_210, %lt3A_211 : i32
      %convert_element_type3A_213 = arith.extui %lt3A_212 : i1 to i32
      %cond3A_214 = arith.constant 0 : i32
      %cond3A_215 = arith.cmpi ne, %convert_element_type3A_213, %cond3A_214 : i32
      scf.if %cond3A_215 {
        %add3A_270 = arith.constant 4 : i32
        %add3A_271 = arith.addi %add3A_190, %add3A_270 : i32
        %mul3A_272 = arith.constant 6400 : i32
        %mul3A_273 = arith.muli %add3A_271, %mul3A_272 : i32
        %add3A_274 = arith.addi %mul3A_2, %mul3A_273 : i32
        %dma_start3A_275 = tpu.memref_slice %arg2[%add3A_274] : memref<3276800xi32, #tpu.memory_space<hbm>> -> memref<6400xi32, #tpu.memory_space<hbm>>
        %dma_start3A_276 = tpu.memref_slice %arg2[%add3A_274] : memref<3276800xi32, #tpu.memory_space<hbm>> -> memref<6400xi32, #tpu.memory_space<hbm>>
        tpu.enqueue_dma source(%dma_start3A_276 : memref<6400xi32, #tpu.memory_space<hbm>>) target(%arg7 : memref<6400xi32, #tpu.memory_space<vmem>>) target_semaphore(%arg18 : memref<!tpu.dma_semaphore, #tpu.memory_space<semaphore_mem>>)
      } else {
      }
      %add3A_216 = arith.constant 2 : i32
      %add3A_217 = arith.addi %add3A_166, %add3A_216 : i32
      %mul3A_218 = arith.constant 6400 : i32
      %mul3A_219 = arith.muli %add3A_217, %mul3A_218 : i32
      %add3A_220 = arith.addi %mul3A_2, %mul3A_219 : i32
      %dma_wait3A_221 = tpu.memref_slice %arg2[%add3A_220] : memref<3276800xi32, #tpu.memory_space<hbm>> -> memref<6400xi32, #tpu.memory_space<hbm>>
      %dma_wait3A_222 = tpu.memref_slice %arg2[%add3A_220] : memref<3276800xi32, #tpu.memory_space<hbm>> -> memref<6400xi32, #tpu.memory_space<hbm>>
      tpu.wait_dma2 semaphore(%arg19 : memref<!tpu.dma_semaphore, #tpu.memory_space<semaphore_mem>>) src(%dma_wait3A_222 : memref<6400xi32, #tpu.memory_space<hbm>>) dst(%arg8 : memref<6400xi32, #tpu.memory_space<vmem>>)
      %ge3A_223 = arith.constant 4 : i32
      %ge3A_224 = arith.cmpi sge, %add3A_217, %ge3A_223 : i32
      %convert_element_type3A_225 = arith.extui %ge3A_224 : i1 to i32
      %cond3A_226 = arith.constant 0 : i32
      %cond3A_227 = arith.cmpi ne, %convert_element_type3A_225, %cond3A_226 : i32
      scf.if %cond3A_227 {
        %sub3A = arith.constant 4 : i32
        %sub3A_270 = arith.subi %add3A_217, %sub3A : i32
        %mul3A_271 = arith.constant 6400 : i32
        %mul3A_272 = arith.muli %sub3A_270, %mul3A_271 : i32
        %add3A_273 = arith.addi %mul3A_2, %mul3A_272 : i32
        %dma_wait3A_274 = tpu.memref_slice %arg5[%add3A_273] : memref<3276800xi32, #tpu.memory_space<hbm>> -> memref<6400xi32, #tpu.memory_space<hbm>>
        %dma_wait3A_275 = tpu.memref_slice %arg5[%add3A_273] : memref<3276800xi32, #tpu.memory_space<hbm>> -> memref<6400xi32, #tpu.memory_space<hbm>>
        tpu.wait_dma2 semaphore(%arg23 : memref<!tpu.dma_semaphore, #tpu.memory_space<semaphore_mem>>) src(%arg12 : memref<6400xi32, #tpu.memory_space<vmem>>) dst(%dma_wait3A_275 : memref<6400xi32, #tpu.memory_space<hbm>>)
      } else {
      }
      %parallel_loop3A_228 = arith.constant 0 : i32
      %parallel_loop3A_229 = arith.constant 6400 : i32
      %parallel_loop3A_230 = arith.constant 16 : i32
      scf.for %parallel_loop3A_270 = %parallel_loop3A_228 to %parallel_loop3A_229 step %parallel_loop3A_230  : i32 {
        %parallel_loop3A_271 = arith.index_cast %parallel_loop3A_270 : i32 to index
        %parallel_loop3A_272 = tpu.vector_load %arg8[%parallel_loop3A_271] {strides = array<i32>} : memref<6400xi32, #tpu.memory_space<vmem>>, vector<16xi32>,
        %parallel_loop3A_273 = tpu.vector_load_idx %arg14[%parallel_loop3A_272] : memref<128xi32, #tpu.memory_space<vmem>>[vector<16xi32>], vector<16xi32>,
        %parallel_loop3A_274 = arith.index_cast %parallel_loop3A_270 : i32 to index
        %parallel_loop3A_275 = tpu.vector_load %arg12[%parallel_loop3A_274] {strides = array<i32>} : memref<6400xi32, #tpu.memory_space<vmem>>, vector<16xi32>,
        tpu.vector_store %arg12[%parallel_loop3A_274], %parallel_loop3A_273 {strides = array<i32>} : memref<6400xi32, #tpu.memory_space<vmem>>, vector<16xi32>,
      } {sc.loop_unroll_factor = 8 : i64, sc.parallel_access}
      %mul3A_231 = arith.constant 6400 : i32
      %mul3A_232 = arith.muli %add3A_217, %mul3A_231 : i32
      %add3A_233 = arith.addi %mul3A_2, %mul3A_232 : i32
      %dma_start3A_234 = tpu.memref_slice %arg5[%add3A_233] : memref<3276800xi32, #tpu.memory_space<hbm>> -> memref<6400xi32, #tpu.memory_space<hbm>>
      %dma_start3A_235 = tpu.memref_slice %arg5[%add3A_233] : memref<3276800xi32, #tpu.memory_space<hbm>> -> memref<6400xi32, #tpu.memory_space<hbm>>
      tpu.enqueue_dma source(%arg12 : memref<6400xi32, #tpu.memory_space<vmem>>) target(%dma_start3A_235 : memref<6400xi32, #tpu.memory_space<hbm>>) target_semaphore(%arg23 : memref<!tpu.dma_semaphore, #tpu.memory_space<semaphore_mem>>)
      %add3A_236 = arith.constant 4 : i32
      %add3A_237 = arith.addi %add3A_217, %add3A_236 : i32
      %lt3A_238 = arith.constant 16 : i32
      %lt3A_239 = arith.cmpi slt, %add3A_237, %lt3A_238 : i32
      %convert_element_type3A_240 = arith.extui %lt3A_239 : i1 to i32
      %cond3A_241 = arith.constant 0 : i32
      %cond3A_242 = arith.cmpi ne, %convert_element_type3A_240, %cond3A_241 : i32
      scf.if %cond3A_242 {
        %add3A_270 = arith.constant 4 : i32
        %add3A_271 = arith.addi %add3A_217, %add3A_270 : i32
        %mul3A_272 = arith.constant 6400 : i32
        %mul3A_273 = arith.muli %add3A_271, %mul3A_272 : i32
        %add3A_274 = arith.addi %mul3A_2, %mul3A_273 : i32
        %dma_start3A_275 = tpu.memref_slice %arg2[%add3A_274] : memref<3276800xi32, #tpu.memory_space<hbm>> -> memref<6400xi32, #tpu.memory_space<hbm>>
        %dma_start3A_276 = tpu.memref_slice %arg2[%add3A_274] : memref<3276800xi32, #tpu.memory_space<hbm>> -> memref<6400xi32, #tpu.memory_space<hbm>>
        tpu.enqueue_dma source(%dma_start3A_276 : memref<6400xi32, #tpu.memory_space<hbm>>) target(%arg8 : memref<6400xi32, #tpu.memory_space<vmem>>) target_semaphore(%arg19 : memref<!tpu.dma_semaphore, #tpu.memory_space<semaphore_mem>>)
      } else {
      }
      %add3A_243 = arith.constant 3 : i32
      %add3A_244 = arith.addi %add3A_166, %add3A_243 : i32
      %mul3A_245 = arith.constant 6400 : i32
      %mul3A_246 = arith.muli %add3A_244, %mul3A_245 : i32
      %add3A_247 = arith.addi %mul3A_2, %mul3A_246 : i32
      %dma_wait3A_248 = tpu.memref_slice %arg2[%add3A_247] : memref<3276800xi32, #tpu.memory_space<hbm>> -> memref<6400xi32, #tpu.memory_space<hbm>>
      %dma_wait3A_249 = tpu.memref_slice %arg2[%add3A_247] : memref<3276800xi32, #tpu.memory_space<hbm>> -> memref<6400xi32, #tpu.memory_space<hbm>>
      tpu.wait_dma2 semaphore(%arg20 : memref<!tpu.dma_semaphore, #tpu.memory_space<semaphore_mem>>) src(%dma_wait3A_249 : memref<6400xi32, #tpu.memory_space<hbm>>) dst(%arg9 : memref<6400xi32, #tpu.memory_space<vmem>>)
      %ge3A_250 = arith.constant 4 : i32
      %ge3A_251 = arith.cmpi sge, %add3A_244, %ge3A_250 : i32
      %convert_element_type3A_252 = arith.extui %ge3A_251 : i1 to i32
      %cond3A_253 = arith.constant 0 : i32
      %cond3A_254 = arith.cmpi ne, %convert_element_type3A_252, %cond3A_253 : i32
      scf.if %cond3A_254 {
        %sub3A = arith.constant 4 : i32
        %sub3A_270 = arith.subi %add3A_244, %sub3A : i32
        %mul3A_271 = arith.constant 6400 : i32
        %mul3A_272 = arith.muli %sub3A_270, %mul3A_271 : i32
        %add3A_273 = arith.addi %mul3A_2, %mul3A_272 : i32
        %dma_wait3A_274 = tpu.memref_slice %arg5[%add3A_273] : memref<3276800xi32, #tpu.memory_space<hbm>> -> memref<6400xi32, #tpu.memory_space<hbm>>
        %dma_wait3A_275 = tpu.memref_slice %arg5[%add3A_273] : memref<3276800xi32, #tpu.memory_space<hbm>> -> memref<6400xi32, #tpu.memory_space<hbm>>
        tpu.wait_dma2 semaphore(%arg24 : memref<!tpu.dma_semaphore, #tpu.memory_space<semaphore_mem>>) src(%arg13 : memref<6400xi32, #tpu.memory_space<vmem>>) dst(%dma_wait3A_275 : memref<6400xi32, #tpu.memory_space<hbm>>)
      } else {
      }
      %parallel_loop3A_255 = arith.constant 0 : i32
      %parallel_loop3A_256 = arith.constant 6400 : i32
      %parallel_loop3A_257 = arith.constant 16 : i32
      scf.for %parallel_loop3A_270 = %parallel_loop3A_255 to %parallel_loop3A_256 step %parallel_loop3A_257  : i32 {
        %parallel_loop3A_271 = arith.index_cast %parallel_loop3A_270 : i32 to index
        %parallel_loop3A_272 = tpu.vector_load %arg9[%parallel_loop3A_271] {strides = array<i32>} : memref<6400xi32, #tpu.memory_space<vmem>>, vector<16xi32>,
        %parallel_loop3A_273 = tpu.vector_load_idx %arg14[%parallel_loop3A_272] : memref<128xi32, #tpu.memory_space<vmem>>[vector<16xi32>], vector<16xi32>,
        %parallel_loop3A_274 = arith.index_cast %parallel_loop3A_270 : i32 to index
        %parallel_loop3A_275 = tpu.vector_load %arg13[%parallel_loop3A_274] {strides = array<i32>} : memref<6400xi32, #tpu.memory_space<vmem>>, vector<16xi32>,
        tpu.vector_store %arg13[%parallel_loop3A_274], %parallel_loop3A_273 {strides = array<i32>} : memref<6400xi32, #tpu.memory_space<vmem>>, vector<16xi32>,
      } {sc.loop_unroll_factor = 8 : i64, sc.parallel_access}
      %mul3A_258 = arith.constant 6400 : i32
      %mul3A_259 = arith.muli %add3A_244, %mul3A_258 : i32
      %add3A_260 = arith.addi %mul3A_2, %mul3A_259 : i32
      %dma_start3A_261 = tpu.memref_slice %arg5[%add3A_260] : memref<3276800xi32, #tpu.memory_space<hbm>> -> memref<6400xi32, #tpu.memory_space<hbm>>
      %dma_start3A_262 = tpu.memref_slice %arg5[%add3A_260] : memref<3276800xi32, #tpu.memory_space<hbm>> -> memref<6400xi32, #tpu.memory_space<hbm>>
      tpu.enqueue_dma source(%arg13 : memref<6400xi32, #tpu.memory_space<vmem>>) target(%dma_start3A_262 : memref<6400xi32, #tpu.memory_space<hbm>>) target_semaphore(%arg24 : memref<!tpu.dma_semaphore, #tpu.memory_space<semaphore_mem>>)
      %add3A_263 = arith.constant 4 : i32
      %add3A_264 = arith.addi %add3A_244, %add3A_263 : i32
      %lt3A_265 = arith.constant 16 : i32
      %lt3A_266 = arith.cmpi slt, %add3A_264, %lt3A_265 : i32
      %convert_element_type3A_267 = arith.extui %lt3A_266 : i1 to i32
      %cond3A_268 = arith.constant 0 : i32
      %cond3A_269 = arith.cmpi ne, %convert_element_type3A_267, %cond3A_268 : i32
      scf.if %cond3A_269 {
        %add3A_270 = arith.constant 4 : i32
        %add3A_271 = arith.addi %add3A_244, %add3A_270 : i32
        %mul3A_272 = arith.constant 6400 : i32
        %mul3A_273 = arith.muli %add3A_271, %mul3A_272 : i32
        %add3A_274 = arith.addi %mul3A_2, %mul3A_273 : i32
        %dma_start3A_275 = tpu.memref_slice %arg2[%add3A_274] : memref<3276800xi32, #tpu.memory_space<hbm>> -> memref<6400xi32, #tpu.memory_space<hbm>>
        %dma_start3A_276 = tpu.memref_slice %arg2[%add3A_274] : memref<3276800xi32, #tpu.memory_space<hbm>> -> memref<6400xi32, #tpu.memory_space<hbm>>
        tpu.enqueue_dma source(%dma_start3A_276 : memref<6400xi32, #tpu.memory_space<hbm>>) target(%arg9 : memref<6400xi32, #tpu.memory_space<vmem>>) target_semaphore(%arg20 : memref<!tpu.dma_semaphore, #tpu.memory_space<semaphore_mem>>)
      } else {
      }
    }
    %scan3A_146 = arith.constant 4 : i32
    %add3A_147 = arith.constant 76800 : i32
    %add3A_148 = arith.addi %mul3A_2, %add3A_147 : i32
    %dma_wait3A = tpu.memref_slice %arg5[%add3A_148] : memref<3276800xi32, #tpu.memory_space<hbm>> -> memref<6400xi32, #tpu.memory_space<hbm>>
    %dma_wait3A_149 = tpu.memref_slice %arg5[%add3A_148] : memref<3276800xi32, #tpu.memory_space<hbm>> -> memref<6400xi32, #tpu.memory_space<hbm>>
    tpu.wait_dma2 semaphore(%arg21 : memref<!tpu.dma_semaphore, #tpu.memory_space<semaphore_mem>>) src(%arg10 : memref<6400xi32, #tpu.memory_space<vmem>>) dst(%dma_wait3A_149 : memref<6400xi32, #tpu.memory_space<hbm>>)
    %add3A_150 = arith.constant 83200 : i32
    %add3A_151 = arith.addi %mul3A_2, %add3A_150 : i32
    %dma_wait3A_152 = tpu.memref_slice %arg5[%add3A_151] : memref<3276800xi32, #tpu.memory_space<hbm>> -> memref<6400xi32, #tpu.memory_space<hbm>>
    %dma_wait3A_153 = tpu.memref_slice %arg5[%add3A_151] : memref<3276800xi32, #tpu.memory_space<hbm>> -> memref<6400xi32, #tpu.memory_space<hbm>>
    tpu.wait_dma2 semaphore(%arg22 : memref<!tpu.dma_semaphore, #tpu.memory_space<semaphore_mem>>) src(%arg11 : memref<6400xi32, #tpu.memory_space<vmem>>) dst(%dma_wait3A_153 : memref<6400xi32, #tpu.memory_space<hbm>>)
    %add3A_154 = arith.constant 89600 : i32
    %add3A_155 = arith.addi %mul3A_2, %add3A_154 : i32
    %dma_wait3A_156 = tpu.memref_slice %arg5[%add3A_155] : memref<3276800xi32, #tpu.memory_space<hbm>> -> memref<6400xi32, #tpu.memory_space<hbm>>
    %dma_wait3A_157 = tpu.memref_slice %arg5[%add3A_155] : memref<3276800xi32, #tpu.memory_space<hbm>> -> memref<6400xi32, #tpu.memory_space<hbm>>
    tpu.wait_dma2 semaphore(%arg23 : memref<!tpu.dma_semaphore, #tpu.memory_space<semaphore_mem>>) src(%arg12 : memref<6400xi32, #tpu.memory_space<vmem>>) dst(%dma_wait3A_157 : memref<6400xi32, #tpu.memory_space<hbm>>)
    %add3A_158 = arith.constant 96000 : i32
    %add3A_159 = arith.addi %mul3A_2, %add3A_158 : i32
    %dma_wait3A_160 = tpu.memref_slice %arg5[%add3A_159] : memref<3276800xi32, #tpu.memory_space<hbm>> -> memref<6400xi32, #tpu.memory_space<hbm>>
    %dma_wait3A_161 = tpu.memref_slice %arg5[%add3A_159] : memref<3276800xi32, #tpu.memory_space<hbm>> -> memref<6400xi32, #tpu.memory_space<hbm>>
    tpu.wait_dma2 semaphore(%arg24 : memref<!tpu.dma_semaphore, #tpu.memory_space<semaphore_mem>>) src(%arg13 : memref<6400xi32, #tpu.memory_space<vmem>>) dst(%dma_wait3A_161 : memref<6400xi32, #tpu.memory_space<hbm>>)
    return
  }
}

</mosaic_0001>

<sc_bundles>
// kernel: kernel.3.cloned.1.call-start
scs
__scs_entry_jumppad:
0x0: {  	(pc) =	sbr.rel $0x88, $3  }
0x1: {  	(tag) =	ssettag $0x0;
	lr =	simm.s32 $0x1  }
0x2: {  	[smem:$0x3F9E] =	sst lr;
	_ =	strace $0xD0000000  }
0x3: {  	_ = 	snop  }
0x4: {  	_ = 	snop  }
0x5: {  	_ = 	snop  }
0x6: {  	_ = 	snop  }
0x7: {  	_ = 	snop  }
__scs_overlays_trampoline_lowered:
0x8: {  	[smem:$0x3FAD] =	sst s0  }
0x9: {  	[smem:$0x3FAE] =	sst s1  }
0xa: {  	[smem:$0x3FAF] =	sst s2  }
0xb: {  	[smem:$0x3FB0] =	sst s3  }
0xc: {  	[smem:$0x3FB1] =	sst s4  }
0xd: {  	[smem:$0x3FB2] =	sst s5  }
0xe: {  	[smem:$0x3FB3] =	sst s6  }
0xf: {  	[smem:$0x3FB4] =	sst s7  }
0x10: {  	[smem:$0x3FB5] =	sst s8  }
0x11: {  	[smem:$0x3FB6] =	sst s9;
	s0 =	simm.s32 @!p0 $0x0  }
0x12: {  	s1 =	sld [smem:$0x3F9C];
	s0 =	simm.s32 @p0 $0x1  }
0x13: {  	[smem:$0x3FB7] =	sst s0;
	s0 =	simm.s32 @!p1 $0x0  }
0x14: {  	s2 =	sld [smem:$0x3F9B];
	s0 =	simm.s32 @p1 $0x1  }
0x15: {  	[smem:$0x3FB8] =	sst s0;
	s0 =	simm.s32 @!p2 $0x0  }
0x16: {  	s3 =	sld [smem:$0x3FDB];
	s0 =	simm.s32 @p2 $0x1  }
0x17: {  	s4 =	simm.s32 $0x1BF5;
	[smem:$0x3FBA] =	sst s0  }
0x18: {  	s0 =	sld [smem:$0x3F9D];
	_ =	swait.ge [sflag:s4], $0x0  }
0x19: {  	s7 =	sld [smem:$0x3F9E]  }
0x1a: {  	s8 =	sadd.s32 $0xFFFFE003, lr  }
0x1b: {  	s9 =	sadd.s32 $0xFFFFFEF7, lr;
	s5 =	simm.s32 $0xFFFFFFFF;
	p2 =	slt.u32 s8, $0xFFFFF086  }
0x1c: {  	p1 =	slt.u32 s9, $0xF7A;
	s5 =	simm.s32 @!p2 $0x0  }
0x1d: {  	s5 =	simm.s32 @p1 $0x1;
	p0 =	seq.s32 s7, s2  }
0x1e: {  	s7 =	smul.u32 @!p0 $0xF7A, s2;
	p2 =	seq.s32 @!p0 s5, $0x0  }
0x1f: {  	s9 =	smul.u32 $0xF7A, s1;
	s8 =	simm.s32 @!p0 $0x1BF5;
	p2 =	por !p2, p0  }
0x20: {  	[sflag:s8] =	ssyncset.s32 @!p0 $0xFFFFF086;
	s6 =	sadd.s32 @!p0 s3, s7;
	s7 =	simm.s32 @!p0 $0x108  }
0x21: {  	s3 =	sadd.s32 s3, s9;
	s6 =	sadd.s32 @!p0 $0x88, s6;
	s7 =	simm.s32 @p2 $0x1082  }
0x22: {  	[simem:s7], [sflag:s8] =	dma.local @!p0 [hbm:s6], $0xF7A  }
0x23: {  	s9 =	sor.u32 $0xD0000000, s2;
	s6 =	simm.s32 $0x108;
	_ =	swait.ge @!p0 [sflag:s8], $0x0  }
0x24: {  	s3 =	sadd.s32 $0x88, s3;
	s6 =	simm.s32 @!p1 $0x1082;
	[sflag:s4] =	ssyncset.s32 $0xFFFFF086  }
0x25: {  	[simem:s6], [sflag:s4] =	dma.local [hbm:s3], $0xF7A  }
0x26: {  	[smem:$0x3F9E] =	sst s1;
	(tag) =	ssettag s2;
	_ =	strace s9  }
0x27: {  	s1 =	sld [smem:$0x3FAE]  }
0x28: {  	s2 =	sld [smem:$0x3FAF]  }
0x29: {  	s4 =	sld [smem:$0x3FB1]  }
0x2a: {  	p0 =	seq.s32 s5, $0x0;
	s5 =	sld [smem:$0x3FB2]  }
0x2b: {  	s6 =	sld [smem:$0x3FB3]  }
0x2c: {  	s7 =	sld [smem:$0x3FB4]  }
0x2d: {  	s3 =	simm.s32 $0x108;
	s8 =	sld [smem:$0x3FB5]  }
0x2e: {  	s3 =	simm.s32 @!p0 $0x1082;
	s9 =	sld [smem:$0x3FB6]  }
0x2f: {  	lr =	sadd.s32 s0, s3;
	s0 =	sld [smem:$0x3FAD]  }
0x30: {  	s3 =	sld [smem:$0x3FB0]  }
0x31: {  	[smem:$0x3FB9] =	sst s10  }
0x32: {  	s10 =	sld [smem:$0x3FB7];
	_ =	sdelay $0x3  }
0x33: {  	p0 =	seq.s32 s10, $0x1;
	s10 =	sld [smem:$0x3FB9];
	_ =	sdelay $0x3  }
0x34: {  	[smem:$0x3FB9] =	sst s10  }
0x35: {  	s10 =	sld [smem:$0x3FB8];
	_ =	sdelay $0x3  }
0x36: {  	p1 =	seq.s32 s10, $0x1;
	s10 =	sld [smem:$0x3FB9];
	_ =	sdelay $0x3  }
0x37: {  	[smem:$0x3FB9] =	sst s10  }
0x38: {  	s10 =	sld [smem:$0x3FBA]  }
0x39: {  	_ = 	snop;
	(pc) =	sbr.ind lr, $3  }
0x3a: {  	_ = 	snop  }
0x3b: {  	_ = 	snop  }
0x3c: {  	p2 =	seq.s32 s10, $0x1;
	s10 =	sld [smem:$0x3FB9]  }
0x3d: {  	_ =	shalt  }
0x3e: {  	_ =	shalt  }
0x3f: {  	_ =	shalt  }
0x40: {  	_ =	shalt  }
0x41: {  	_ =	shalt  }
0x42: {  	_ =	shalt  }
0x43: {  	_ =	shalt  }
0x44: {  	_ =	shalt  }
0x45: {  	_ =	shalt  }
0x46: {  	_ =	shalt  }
0x47: {  	_ =	shalt  }
0x48: {  	_ =	shalt  }
0x49: {  	_ =	shalt  }
0x4a: {  	_ =	shalt  }
0x4b: {  	_ =	shalt  }
0x4c: {  	_ =	shalt  }
0x4d: {  	_ =	shalt  }
0x4e: {  	_ =	shalt  }
0x4f: {  	_ =	shalt  }
0x50: {  	_ =	shalt  }
0x51: {  	_ =	shalt  }
0x52: {  	_ =	shalt  }
0x53: {  	_ =	shalt  }
0x54: {  	_ =	shalt  }
0x55: {  	_ =	shalt  }
0x56: {  	_ =	shalt  }
0x57: {  	_ =	shalt  }
0x58: {  	_ =	shalt  }
0x59: {  	_ =	shalt  }
0x5a: {  	_ =	shalt  }
0x5b: {  	_ =	shalt  }
0x5c: {  	_ =	shalt  }
0x5d: {  	_ =	shalt  }
0x5e: {  	_ =	shalt  }
0x5f: {  	_ =	shalt  }
0x60: {  	_ =	shalt  }
0x61: {  	_ =	shalt  }
0x62: {  	_ =	shalt  }
0x63: {  	_ =	shalt  }
0x64: {  	_ =	shalt  }
0x65: {  	_ =	shalt  }
0x66: {  	_ =	shalt  }
0x67: {  	_ =	shalt  }
0x68: {  	_ =	shalt  }
0x69: {  	_ =	shalt  }
0x6a: {  	_ =	shalt  }
0x6b: {  	_ =	shalt  }
0x6c: {  	_ =	shalt  }
0x6d: {  	_ =	shalt  }
0x6e: {  	_ =	shalt  }
0x6f: {  	_ =	shalt  }
0x70: {  	_ =	shalt  }
0x71: {  	_ =	shalt  }
0x72: {  	_ =	shalt  }
0x73: {  	_ =	shalt  }
0x74: {  	_ =	shalt  }
0x75: {  	_ =	shalt  }
0x76: {  	_ =	shalt  }
0x77: {  	_ =	shalt  }
0x78: {  	_ =	shalt  }
0x79: {  	_ =	shalt  }
0x7a: {  	_ =	shalt  }
0x7b: {  	_ =	shalt  }
0x7c: {  	_ =	shalt  }
0x7d: {  	_ =	shalt  }
0x7e: {  	_ =	shalt  }
0x7f: {  	_ =	shalt  }
0x80: {  	_ =	shalt  }
0x81: {  	_ =	shalt  }
0x82: {  	_ =	shalt  }
0x83: {  	_ =	shalt  }
0x84: {  	_ =	shalt  }
0x85: {  	_ =	shalt  }
0x86: {  	_ =	shalt  }
0x87: {  	_ =	shalt  }
.Lfunc_end0:
.L_simem_size_0:
called_computation_lowered:
.L_overlay_start_0:
0x88: {  	s2 =	sld [smem:$0x3FD9]  }
0x89: {  	s3 =	sld [smem:$0x3FFE];
	_ =	sdelay $0x1  }
0x8a: {  	s1 =	srdreg.scid  }
0x8b: {  	s0 =	sand.u32 $0x1, s1  }
0x8c: {  	s18 =	sshll.u32 s0, $0xA;
	s2 =	sadd.s32 s3, s2  }
0x8d: {  	s2 =	sadd.s32 s2, s18  }
0x8e: {  	[smem:$0x3FC5] =	sst s2  }
0x8f: {  	_ = 	snop  }
0x90: {  	s2 =	sld [smem:$0x3FC9]  }
0x91: {  	s19 =	sld [smem:$0x3FC8]  }
0x92: {  	s4 =	sld [smem:$0x3FC7]  }
0x93: {  	s5 =	sld [smem:$0x3FD0];
	(tm) =	ssettm $0x1  }
0x94: {  	s6 =	sld [smem:$0x3FFB];
	_ =	sdelay $0x3  }
0x95: {  	_ =	strace s6  }
0x96: {  	s6 =	sld [smem:$0x3FFC];
	_ =	sdelay $0x3  }
0x97: {  	_ =	strace s6  }
0x98: {  	s6 =	sld [smem:$0x3FFD];
	_ =	sdelay $0x3  }
0x99: {  	_ =	strace s6  }
0x9a: {  	_ =	strace $0x8FFFFFFF  }
0x9b: {  	s20 =	sld [smem:$0x3FDB];
	_ =	sdelay $0x1  }
0x9c: {  	s7 =	simm.s32 $_scs_section_size  }
0x9d: {  	s8 =	simm.s32 $_size__tile_overlayer_lowered;
	s9 =	simm.s32 $_tile_overlayer_lowered  }
0x9e: {  	s23 =	simm.s32 $0x1BFF;
	s22 =	sshll.u32 s9, $0x1;
	s6 =	sadd.s32 s7, s20  }
0x9f: {  	s10 =	simm.s32 $0x0;
	s21 =	sshll.u32 s8, $0x1;
	s8 =	sadd.s32 s22, s6  }
0xa0: {  	[timem:s10], [sflag:s23] =	dma.local [hbm:s8], s21  }
0xa1: {  	_ =	swait.ge [sflag:s23], s21  }
0xa2: {  	s7 =	ssub.s32 $0x0, s21;
	[sflag:s23] =	ssyncset.done $0x0  }
0xa3: {  	[sflag:s23] =	ssyncadd.s32 s7;
	_ =	sdelay $0x1  }
0xa4: {  	s24 =	simm.s32 $0x1B8B  }
0xa5: {  	_ =	swait.ge [sflag:s24], $0x1  }
0xa6: {  	[sflag:s24] =	ssyncset.done $0x0  }
0xa7: {  	s25 =	simm.s32 $0x1B8E;
	[sflag:s24] =	ssyncadd.s32 $0xFFFFFFFF  }
0xa8: {  	s26 =	simm.s32 $execute0_lowered;
	[smem:$0x3FD2] =	sst s25  }
0xa9: {  	s7 =	sshll.u32 s26, $0x1;
	_ =	strace $0x80000046;
	[dreg:$0x1] =	wrdreg $0xFFFFFFFF  }
0xaa: {  	s28 =	simm.s32 $_size_execute0_lowered;
	s6 =	sadd.s32 s6, s7;
	[dreg:$0x0] =	wrdreg $0x0  }
0xab: {  	s7 =	sshll.u32 s28, $0x1;
	[dreg:$0x2] =	wrdreg s6  }
0xac: {  	[dreg:$0x3] =	wrdreg s7  }
0xad: {  	[dreg:$0x4] =	wrdreg $0xC0  }
0xae: {  	_ =	task [dreg:s10], $0x5FFFF  }
0xaf: {  	[dreg:$0x1] =	wrdreg $0xFFFFFFFF  }
0xb0: {  	[dreg:$0x0] =	wrdreg $0x60  }
0xb1: {  	[dreg:$0x2] =	wrdreg s2  }
0xb2: {  	[dreg:$0x3] =	wrdreg s19  }
0xb3: {  	[dreg:$0x4] =	wrdreg s4  }
0xb4: {  	[dreg:$0x5] =	wrdreg s5  }
0xb5: {  	[dreg:$0x6] =	wrdreg $0x9  }
0xb6: {  	_ =	task.clear_ibuf [dreg:s10], $0x7FFFF;
	_ =	strace $0x90000046  }
0xb7: {  	s29 =	simm.s32 $0x9;
	_ =	strace $0x80000048  }
0xb8: {  	_ =	swait.ge [sflag:s29], $0x1  }
0xb9: {  	[sflag:s29] =	ssyncadd.s32 $0xFFFFFFFF  }
0xba: {  	_ =	strace $0x90000048  }
0xbb: {  	_ =	sfence  }
0xbc: {  	s30 =	sld [smem:$0x0];
	_ =	sdelay $0x2  }
0xbd: {  	s31 =	sshll.u32 s1, $0xD;
	s1 =	sshrl.u32 s1, $0x2  }
0xbe: {  	s3 =	sand.u32 $0x4000, s31;
	s1 =	sadd.s32 s1, s30  }
0xbf: {  	s0 =	sor.u32 s3, s0;
	s1 =	sshll.u32 s1, $0x11  }
0xc0: {  	s0 =	sor.u32 s1, s0  }
0xc1: {  	s0 =	sadd.s32 $0x8F2B, s0  }
0xc2: {  	[sflag:s0] =	ssyncadd.remote.s32 $0x1  }
0xc3: {  	_ =	sfence.sel $0xFFFF  }
0xc4: {  	[dreg:$0x0] =	wrdreg $0xFFFFFFFF;
	(pc) =	sbr.abs _section_cstart, $3  }
0xc5: {  	[dreg:$0x1] =	wrdreg $0xFFFFFFFF  }
0xc6: {  	_ =	task.clear_ibuf [dreg:s10], $0x2FFFF;
	_ =	strace $0x9FFFFFFF  }
0xc7: {  	(tm) =	ssettm $0x7FFFFFFF  }
tec
execute0_lowered:
.L_overlay_start_1:
0x0: {  	(tag) =	ssettag $0x1  }
0x1: {  	s1 =	rddreg [dreg:$0x0];
	s0 =	srdreg.scid  }
0x2: {  	s2 =	stileid.u32;
	s5 =	rddreg [dreg:$0x3];
	s6 =	simm.s32 $0x0  }
0x3: {  	s28 =	simm.s32 $0x1;
	s29 =	simm.s32 $0x6400;
	s30 =	simm.s32 $0x2  }
0x4: {  	s31 =	simm.s32 $0x7D00;
	s0 =	sand.u32 $0x1, s0;
	s2 =	sshll.u32 s2, $0x1  }
0x5: {  	s4 =	simm.s32 $0xAF00;
	s2 =	sor.u32 s0, s2;
	s0 =	ssub.s32 $0x2, s0  }
0x6: {  	[smem:$0x7FF] =	sst s6;
	s7 =	smul.u32 $0x19000, s2;
	s21 =	sshrl.u32 s0, $0x1  }
0x7: {  	s8 =	simm.s32 $0x0;
	_ =	strace $0x80000047;
	s0 =	ssub.s32 s0, s21  }
0x8: {  	s3 =	sshrl.u32 s7, $0x3;
	s9 =	sadd.s32 $0x1900, s7;
	s10 =	sadd.s32 $0x3200, s7  }
0x9: {  	s11 =	sadd.s32 $0x4B00, s7;
	s15 =	sadd.s32 $0x6400, s7;
	s16 =	sadd.s32 $0x7D00, s7  }
0xa: {  	s17 =	sadd.s32 $0x9600, s7;
	s18 =	sadd.s32 $0xAF00, s7;
	s0 =	smax.u32 s0, $0x1  }
0xb: {  	s22 =	sadd.s32 s1, s3;
	s23 =	sshrl.u32 s9, $0x3;
	s24 =	sshrl.u32 s10, $0x3  }
0xc: {  	s25 =	sshrl.u32 s11, $0x3;
	[dreg:$0x9] =	wrdreg s0;
	s3 =	simm.s32 $0x3  }
.Ltmp0:
0xd: {  	s0 =	simm.s32 $0x9600;
	[dreg:$0x5] =	wrdreg s22;
	(pc) =	sbr.rel .LBB2_1-.Ltmp0, $4  }
0xe: {  	s2 =	sadd.s32 s1, s23;
	s26 =	sadd.s32 s1, s25;
	s22 =	simm.s32 $0x4B00  }
0xf: {  	s23 =	simm.s32 $0x7;
	s25 =	simm.s32 $0x8;
	[dreg:$0x6] =	wrdreg s2  }
0x10: {  	s2 =	sadd.s32 s1, s24;
	[dreg:$0x8] =	wrdreg s26;
	s24 =	simm.s32 $0x9  }
0x11: {  	v0 =	vimm.s32 $0x7F;
	v1 =	vimm.s32 $0x0;
	s26 =	simm.s32 $0xC800;
	[dreg:$0x7] =	wrdreg s2;
	s2 =	simm.s32 $0x4  }
.LBB2_12:
0x12: {  	s12 =	simm.s32 $0x5  }
0x13: {  	_ =	swait.ge [sflag:s12], $0x1900  }
0x14: {  	[sflag:s12] =	ssyncset.done $0x0  }
0x15: {  	s20 =	simm.s32 $0x6;
	[sflag:s12] =	ssyncadd.s32 $0xFFFFE700  }
0x16: {  	_ =	swait.ge [sflag:s20], $0x1900  }
0x17: {  	[sflag:s20] =	ssyncset.done $0x0  }
0x18: {  	[sflag:s20] =	ssyncadd.s32 $0xFFFFE700  }
0x19: {  	_ =	swait.ge [sflag:s23], $0x1900  }
0x1a: {  	[sflag:s23] =	ssyncset.done $0x0  }
0x1b: {  	[sflag:s23] =	ssyncadd.s32 $0xFFFFE700  }
0x1c: {  	_ =	swait.ge [sflag:s25], $0x1900  }
0x1d: {  	s8 =	sadd.s32 $0x1, s8;
	s21 =	rddreg [dreg:$0x9]  }
0x1e: {  	p0 =	sne.s32 s8, s21  }
.Ltmp1:
0x1f: {  	_ = 	snop;
	(pc) =	sbr.rel @!p0 .LBB2_13-.Ltmp1, $3  }
0x20: {  	_ =	sdelay $0x1  }
0x21: {  	[sflag:s25] =	ssyncset.done $0x0  }
0x22: {  	[sflag:s25] =	ssyncadd.s32 $0xFFFFE700  }
.LBB2_1:
0x23: {  	s12 =	rddreg [dreg:$0x5]  }
0x24: {  	[tilespmem:s6], [sflag:$0x1] =	stream.linear.gather [hbm4b:s12+s6], $0x1900, $0x38;
	[tilespmem:$0xC980] =	vst v63  }
0x25: {  	s19 =	rddreg [dreg:$0x6];
	s13 =	simm.s32 $0x1900  }
0x26: {  	[tilespmem:s13], [sflag:$0x2] =	stream.linear.gather [hbm4b:s19+s6], $0x1900, $0x38;
	[tilespmem:$0xC980] =	vst v63  }
0x27: {  	s20 =	rddreg [dreg:$0x7];
	s21 =	simm.s32 $0x3200  }
0x28: {  	[tilespmem:s21], [sflag:$0x3] =	stream.linear.gather [hbm4b:s20+s6], $0x1900, $0x38;
	[tilespmem:$0xC980] =	vst v63  }
0x29: {  	s13 =	rddreg [dreg:$0x8]  }
0x2a: {  	[tilespmem:s22], [sflag:$0x4] =	stream.linear.gather [hbm4b:s13+s6], $0x1900, $0x38;
	[tilespmem:$0xC980] =	vst v63  }
0x2b: {  	[tilespmem:$0xC880] =	vst v0  }
0x2c: {  	[tilespmem:$0xC900] =	vst v1  }
0x2d: {  	[tilespmem:$0xC800] =	vst v1  }
0x2e: {  	[tilespmem:$0xC890] =	vst v0  }
0x2f: {  	[tilespmem:$0xC910] =	vst v1  }
0x30: {  	[tilespmem:$0xC810] =	vst v1  }
0x31: {  	[tilespmem:$0xC8A0] =	vst v0  }
0x32: {  	[tilespmem:$0xC920] =	vst v1  }
0x33: {  	[tilespmem:$0xC820] =	vst v1  }
0x34: {  	[tilespmem:$0xC8B0] =	vst v0  }
0x35: {  	[tilespmem:$0xC930] =	vst v1  }
0x36: {  	[tilespmem:$0xC830] =	vst v1  }
0x37: {  	[tilespmem:$0xC8C0] =	vst v0  }
0x38: {  	[tilespmem:$0xC940] =	vst v1  }
0x39: {  	[tilespmem:$0xC840] =	vst v1  }
0x3a: {  	[tilespmem:$0xC8D0] =	vst v0  }
0x3b: {  	[tilespmem:$0xC950] =	vst v1  }
0x3c: {  	[tilespmem:$0xC850] =	vst v1  }
0x3d: {  	[tilespmem:$0xC8E0] =	vst v0  }
0x3e: {  	[tilespmem:$0xC960] =	vst v1  }
0x3f: {  	[tilespmem:$0xC860] =	vst v1  }
0x40: {  	[tilespmem:$0xC8F0] =	vst v0  }
0x41: {  	[tilespmem:$0xC970] =	vst v1  }
0x42: {  	s14 =	rddreg [dreg:$0x1];
	s19 =	simm.s32 $0xC880;
	[tilespmem:$0xC870] =	vst v1  }
0x43: {  	[tilespmem:s19], [sflag:$0x9] =	stream.linear.gather [hbm4b:s14+s6], $0x64, $0x38;
	[tilespmem:$0xC980] =	vst v63  }
0x44: {  	_ =	swait.ge [sflag:s24], $0x64  }
0x45: {  	[sflag:s24] =	ssyncset.done $0x0  }
0x46: {  	[sflag:s24] =	ssyncadd.s32 $0xFFFFFF9C  }
0x47: {  	s21 =	simm.s32 $0xC900;
	s20 =	rddreg [dreg:$0x2]  }
0x48: {  	[tilespmem:s21], [sflag:$0x9] =	stream.linear.gather [hbm4b:s20+s6], $0x64, $0x38;
	[tilespmem:$0xC980] =	vst v63  }
0x49: {  	_ =	swait.ge [sflag:s24], $0x64  }
0x4a: {  	[sflag:s24] =	ssyncset.done $0x0  }
0x4b: {  	[sflag:s24] =	ssyncadd.s32 $0xFFFFFF9C  }
0x4c: {  	v2 =	vld [tilespmem:$0xC880];
	_ =	sdelay $0x2  }
0x4d: {  	v3 =	vld [tilespmem:$0xC900];
	_ =	sdelay $0x4  }
0x4e: {  	[tilespmem:v2+s26+$0x0] =	vst.idx.msk $0xffff, v3  }
0x4f: {  	v2 =	vld [tilespmem:$0xC890];
	_ =	sdelay $0x2  }
0x50: {  	v3 =	vld [tilespmem:$0xC910];
	_ =	sdelay $0x4  }
0x51: {  	[tilespmem:v2+s26+$0x0] =	vst.idx.msk $0xffff, v3  }
0x52: {  	v2 =	vld [tilespmem:$0xC8A0];
	_ =	sdelay $0x2  }
0x53: {  	v3 =	vld [tilespmem:$0xC920];
	_ =	sdelay $0x4  }
0x54: {  	[tilespmem:v2+s26+$0x0] =	vst.idx.msk $0xffff, v3  }
0x55: {  	v2 =	vld [tilespmem:$0xC8B0];
	_ =	sdelay $0x2  }
0x56: {  	v3 =	vld [tilespmem:$0xC930];
	_ =	sdelay $0x4  }
0x57: {  	[tilespmem:v2+s26+$0x0] =	vst.idx.msk $0xffff, v3  }
0x58: {  	v2 =	vld [tilespmem:$0xC8C0];
	_ =	sdelay $0x2  }
0x59: {  	v3 =	vld [tilespmem:$0xC940];
	_ =	sdelay $0x4  }
0x5a: {  	[tilespmem:v2+s26+$0x0] =	vst.idx.msk $0xffff, v3  }
0x5b: {  	v2 =	vld [tilespmem:$0xC8D0];
	_ =	sdelay $0x2  }
0x5c: {  	v3 =	vld [tilespmem:$0xC950];
	_ =	sdelay $0x4  }
0x5d: {  	[tilespmem:v2+s26+$0x0] =	vst.idx.msk $0xffff, v3  }
0x5e: {  	v2 =	vld [tilespmem:$0xC8E0];
	_ =	sdelay $0x2  }
0x5f: {  	v3 =	vld [tilespmem:$0xC960];
	_ =	sdelay $0x4  }
0x60: {  	[tilespmem:v2+s26+$0x0] =	vst.idx.msk $0xffff, v3  }
0x61: {  	v2 =	vld [tilespmem:$0xC8F0];
	_ =	sdelay $0x2  }
0x62: {  	v3 =	vld [tilespmem:$0xC970];
	_ =	sdelay $0x4  }
0x63: {  	s12 =	simm.s32 $0x0;
	[tilespmem:v2+s26+$0x0] =	vst.idx.msk $0xffff, v3  }
.LBB2_2:
0x64: {  	_ =	swait.ge [sflag:s28], $0x1900  }
0x65: {  	p0 =	seq.s32 s12, $0x0;
	[sflag:s28] =	ssyncset.done $0x0  }
0x66: {  	s13 =	simm.s32 @!p0 $0x5;
	[sflag:s28] =	ssyncadd.s32 $0xFFFFE700  }
0x67: {  	_ =	swait.ge @!p0 [sflag:s13], $0x1900  }
0x68: {  	[sflag:s13] =	ssyncset.done @!p0 $0x0  }
0x69: {  	s21 =	simm.s32 $0x40;
	[sflag:s13] =	ssyncadd.s32 @!p0 $0xFFFFE700  }
0x6a: {  	v2 =	vld [tilespmem:s21+$0x30]  }
0x6b: {  	v3 =	vld [tilespmem:s21+$0xFFFFFFD0]  }
0x6c: {  	v4 =	vld [tilespmem:s21+$0xFFFFFFE0]  }
0x6d: {  	v5 =	vld [tilespmem:s21+$0xFFFFFFF0]  }
0x6e: {  	v7 =	vld [tilespmem:s21+$0x0]  }
0x6f: {  	v8 =	vld [tilespmem:s21+$0x10]  }
0x70: {  	v9 =	vld [tilespmem:s21+$0x20]  }
0x71: {  	v10 =	vld [tilespmem:s21+$0xFFFFFFC0]  }
0x72: {  	v11 =	vld.idx.msk [tilespmem:v2+s26+$0x0], $0xffff  }
0x73: {  	v12 =	vld.idx.msk [tilespmem:v3+s26+$0x0], $0xffff  }
0x74: {  	v6 =	vld.idx.msk [tilespmem:v4+s26+$0x0], $0xffff  }
0x75: {  	v3 =	vld.idx.msk [tilespmem:v5+s26+$0x0], $0xffff  }
0x76: {  	v2 =	vld.idx.msk [tilespmem:v7+s26+$0x0], $0xffff  }
0x77: {  	s14 =	simm.s32 $0x6440;
	s13 =	smul.u32 $0x6400, s12;
	v4 =	vld.idx.msk [tilespmem:v8+s26+$0x0], $0xffff  }
0x78: {  	v5 =	vld.idx.msk [tilespmem:v9+s26+$0x0], $0xffff;
	[tilespmem:s14+$0x30] =	vst v11  }
0x79: {  	s20 =	simm.s32 $0x0;
	s21 =	simm.s32 $0xC0;
	s19 =	sadd.s32 s7, s13;
	v7 =	vld.idx.msk [tilespmem:v10+s26+$0x0], $0xffff;
	[tilespmem:s14+$0xFFFFFFD0] =	vst v12  }
.LBB2_3:
0x7a: {  	v8 =	vld [tilespmem:s21+$0x30];
	s20 =	sadd.s32 $0x80, s20;
	[tilespmem:s14+$0xFFFFFFE0] =	vst v6  }
0x7b: {  	v6 =	vld [tilespmem:s21+$0xFFFFFFD0];
	p1 =	slt.u32 s20, $0x1880;
	[tilespmem:s14+$0xFFFFFFF0] =	vst v3  }
0x7c: {  	v3 =	vld [tilespmem:s21+$0xFFFFFFE0];
	[tilespmem:s14+$0x0] =	vst v2  }
0x7d: {  	v2 =	vld [tilespmem:s21+$0xFFFFFFF0];
	[tilespmem:s14+$0x10] =	vst v4  }
0x7e: {  	v4 =	vld [tilespmem:s21+$0x0];
	[tilespmem:s14+$0x20] =	vst v5  }
0x7f: {  	v5 =	vld [tilespmem:s21+$0x10];
	[tilespmem:s14+$0xFFFFFFC0] =	vst v7  }
0x80: {  	v7 =	vld [tilespmem:s21+$0x20]  }
0x81: {  	v9 =	vld [tilespmem:s21+$0xFFFFFFC0]  }
0x82: {  	v8 =	vld.idx.msk [tilespmem:v8+s26+$0x0], $0xffff  }
0x83: {  	v10 =	vld.idx.msk [tilespmem:v6+s26+$0x0], $0xffff  }
0x84: {  	v6 =	vld.idx.msk [tilespmem:v3+s26+$0x0], $0xffff  }
.Ltmp2:
0x85: {  	v3 =	vld.idx.msk [tilespmem:v2+s26+$0x0], $0xffff;
	(pc) =	sbr.rel @p1 .LBB2_3-.Ltmp2, $4  }
0x86: {  	v2 =	vld.idx.msk [tilespmem:v4+s26+$0x0], $0xffff  }
0x87: {  	s14 =	sadd.s32 $0x80, s14;
	v4 =	vld.idx.msk [tilespmem:v5+s26+$0x0], $0xffff  }
0x88: {  	v5 =	vld.idx.msk [tilespmem:v7+s26+$0x0], $0xffff;
	[tilespmem:s14+$0x30] =	vst v8  }
0x89: {  	s21 =	sadd.s32 $0x80, s21;
	v7 =	vld.idx.msk [tilespmem:v9+s26+$0x0], $0xffff;
	[tilespmem:s14+$0xFFFFFFD0] =	vst v10  }
0x8a: {  	[tilespmem:s14+$0xFFFFFFE0] =	vst v6  }
0x8b: {  	[tilespmem:s14+$0xFFFFFFF0] =	vst v3  }
0x8c: {  	[tilespmem:s14+$0x0] =	vst v2  }
0x8d: {  	[tilespmem:s14+$0x10] =	vst v4  }
0x8e: {  	s19 =	sshrl.u32 s19, $0x3;
	p1 =	seq.s32 s12, $0x3;
	[tilespmem:s14+$0x20] =	vst v5  }
0x8f: {  	s20 =	sadd.s32 s5, s19;
	[tilespmem:s14+$0xFFFFFFC0] =	vst v7;
	s14 =	sadd.s32 @!p1 s13, s15  }
0x90: {  	[hbm4b:s20+s6] =	stream.linear.scatter [tilespmem:s29], [sflag:$0x5], $0x1900, $0x38;
	[tilespmem:$0xC980] =	vst v63  }
0x91: {  	s14 =	sshrl.u32 @!p1 s14, $0x3  }
0x92: {  	s19 =	simm.s32 @!p1 $0x0;
	s14 =	sadd.s32 @!p1 s1, s14  }
0x93: {  	[tilespmem:s19], [sflag:$0x1] =	stream.linear.gather @!p1 [hbm4b:s14+s19], $0x1900, $0x38;
	[tilespmem:$0xC980] =	vst v63  }
0x94: {  	_ =	swait.ge [sflag:s30], $0x1900  }
0x95: {  	[sflag:s30] =	ssyncset.done $0x0  }
0x96: {  	s14 =	simm.s32 @!p0 $0x6;
	[sflag:s30] =	ssyncadd.s32 $0xFFFFE700  }
0x97: {  	_ =	swait.ge @!p0 [sflag:s14], $0x1900  }
0x98: {  	[sflag:s14] =	ssyncset.done @!p0 $0x0  }
0x99: {  	s21 =	simm.s32 $0x1940;
	[sflag:s14] =	ssyncadd.s32 @!p0 $0xFFFFE700  }
0x9a: {  	v2 =	vld [tilespmem:s21+$0x30]  }
0x9b: {  	v3 =	vld [tilespmem:s21+$0xFFFFFFD0]  }
0x9c: {  	v4 =	vld [tilespmem:s21+$0xFFFFFFE0]  }
0x9d: {  	v5 =	vld [tilespmem:s21+$0xFFFFFFF0]  }
0x9e: {  	v6 =	vld [tilespmem:s21+$0x0]  }
0x9f: {  	v8 =	vld [tilespmem:s21+$0x10]  }
0xa0: {  	v9 =	vld [tilespmem:s21+$0x20]  }
0xa1: {  	v10 =	vld [tilespmem:s21+$0xFFFFFFC0]  }
0xa2: {  	v11 =	vld.idx.msk [tilespmem:v2+s26+$0x0], $0xffff  }
0xa3: {  	v12 =	vld.idx.msk [tilespmem:v3+s26+$0x0], $0xffff  }
0xa4: {  	v7 =	vld.idx.msk [tilespmem:v4+s26+$0x0], $0xffff  }
0xa5: {  	v5 =	vld.idx.msk [tilespmem:v5+s26+$0x0], $0xffff  }
0xa6: {  	v2 =	vld.idx.msk [tilespmem:v6+s26+$0x0], $0xffff  }
0xa7: {  	s14 =	simm.s32 $0x7D40;
	v3 =	vld.idx.msk [tilespmem:v8+s26+$0x0], $0xffff  }
0xa8: {  	v4 =	vld.idx.msk [tilespmem:v9+s26+$0x0], $0xffff;
	[tilespmem:s14+$0x30] =	vst v11  }
0xa9: {  	s20 =	simm.s32 $0x0;
	s19 =	sadd.s32 s13, s9;
	s21 =	simm.s32 $0x19C0;
	v6 =	vld.idx.msk [tilespmem:v10+s26+$0x0], $0xffff;
	[tilespmem:s14+$0xFFFFFFD0] =	vst v12  }
.LBB2_5:
0xaa: {  	v8 =	vld [tilespmem:s21+$0x30];
	s20 =	sadd.s32 $0x80, s20;
	[tilespmem:s14+$0xFFFFFFE0] =	vst v7  }
0xab: {  	v7 =	vld [tilespmem:s21+$0xFFFFFFD0];
	p2 =	slt.u32 s20, $0x1880;
	[tilespmem:s14+$0xFFFFFFF0] =	vst v5  }
0xac: {  	v5 =	vld [tilespmem:s21+$0xFFFFFFE0];
	[tilespmem:s14+$0x0] =	vst v2  }
0xad: {  	v2 =	vld [tilespmem:s21+$0xFFFFFFF0];
	[tilespmem:s14+$0x10] =	vst v3  }
0xae: {  	v3 =	vld [tilespmem:s21+$0x0];
	[tilespmem:s14+$0x20] =	vst v4  }
0xaf: {  	v4 =	vld [tilespmem:s21+$0x10];
	[tilespmem:s14+$0xFFFFFFC0] =	vst v6  }
0xb0: {  	v6 =	vld [tilespmem:s21+$0x20]  }
0xb1: {  	v9 =	vld [tilespmem:s21+$0xFFFFFFC0]  }
0xb2: {  	v8 =	vld.idx.msk [tilespmem:v8+s26+$0x0], $0xffff  }
0xb3: {  	v10 =	vld.idx.msk [tilespmem:v7+s26+$0x0], $0xffff  }
0xb4: {  	v7 =	vld.idx.msk [tilespmem:v5+s26+$0x0], $0xffff  }
.Ltmp3:
0xb5: {  	v5 =	vld.idx.msk [tilespmem:v2+s26+$0x0], $0xffff;
	(pc) =	sbr.rel @p2 .LBB2_5-.Ltmp3, $4  }
0xb6: {  	v2 =	vld.idx.msk [tilespmem:v3+s26+$0x0], $0xffff  }
0xb7: {  	s14 =	sadd.s32 $0x80, s14;
	v3 =	vld.idx.msk [tilespmem:v4+s26+$0x0], $0xffff  }
0xb8: {  	v4 =	vld.idx.msk [tilespmem:v6+s26+$0x0], $0xffff;
	[tilespmem:s14+$0x30] =	vst v8  }
0xb9: {  	s21 =	sadd.s32 $0x80, s21;
	v6 =	vld.idx.msk [tilespmem:v9+s26+$0x0], $0xffff;
	[tilespmem:s14+$0xFFFFFFD0] =	vst v10  }
0xba: {  	[tilespmem:s14+$0xFFFFFFE0] =	vst v7  }
0xbb: {  	[tilespmem:s14+$0xFFFFFFF0] =	vst v5  }
0xbc: {  	[tilespmem:s14+$0x0] =	vst v2  }
0xbd: {  	[tilespmem:s14+$0x10] =	vst v3  }
0xbe: {  	s19 =	sshrl.u32 s19, $0x3;
	[tilespmem:s14+$0x20] =	vst v4  }
0xbf: {  	s20 =	sadd.s32 s5, s19;
	[tilespmem:s14+$0xFFFFFFC0] =	vst v6;
	s14 =	sadd.s32 @!p1 s13, s16  }
0xc0: {  	[hbm4b:s20+s6] =	stream.linear.scatter [tilespmem:s31], [sflag:$0x6], $0x1900, $0x38;
	[tilespmem:$0xC980] =	vst v63  }
0xc1: {  	s14 =	sshrl.u32 @!p1 s14, $0x3  }
0xc2: {  	s19 =	simm.s32 @!p1 $0x0;
	s20 =	simm.s32 @!p1 $0x1900;
	s14 =	sadd.s32 @!p1 s1, s14  }
0xc3: {  	[tilespmem:s20], [sflag:$0x2] =	stream.linear.gather @!p1 [hbm4b:s14+s19], $0x1900, $0x38;
	[tilespmem:$0xC980] =	vst v63  }
0xc4: {  	_ =	swait.ge [sflag:s3], $0x1900  }
0xc5: {  	[sflag:s3] =	ssyncset.done $0x0  }
0xc6: {  	s14 =	simm.s32 @!p0 $0x7;
	[sflag:s3] =	ssyncadd.s32 $0xFFFFE700  }
0xc7: {  	_ =	swait.ge @!p0 [sflag:s14], $0x1900  }
0xc8: {  	[sflag:s14] =	ssyncset.done @!p0 $0x0  }
0xc9: {  	s21 =	simm.s32 $0x3240;
	[sflag:s14] =	ssyncadd.s32 @!p0 $0xFFFFE700  }
0xca: {  	v2 =	vld [tilespmem:s21+$0x30]  }
0xcb: {  	v3 =	vld [tilespmem:s21+$0xFFFFFFD0]  }
0xcc: {  	v4 =	vld [tilespmem:s21+$0xFFFFFFE0]  }
0xcd: {  	v5 =	vld [tilespmem:s21+$0xFFFFFFF0]  }
0xce: {  	v6 =	vld [tilespmem:s21+$0x0]  }
0xcf: {  	v8 =	vld [tilespmem:s21+$0x10]  }
0xd0: {  	v9 =	vld [tilespmem:s21+$0x20]  }
0xd1: {  	v10 =	vld [tilespmem:s21+$0xFFFFFFC0]  }
0xd2: {  	v11 =	vld.idx.msk [tilespmem:v2+s26+$0x0], $0xffff  }
0xd3: {  	v12 =	vld.idx.msk [tilespmem:v3+s26+$0x0], $0xffff  }
0xd4: {  	v7 =	vld.idx.msk [tilespmem:v4+s26+$0x0], $0xffff  }
0xd5: {  	v5 =	vld.idx.msk [tilespmem:v5+s26+$0x0], $0xffff  }
0xd6: {  	v2 =	vld.idx.msk [tilespmem:v6+s26+$0x0], $0xffff  }
0xd7: {  	s14 =	simm.s32 $0x9640;
	v3 =	vld.idx.msk [tilespmem:v8+s26+$0x0], $0xffff  }
0xd8: {  	v4 =	vld.idx.msk [tilespmem:v9+s26+$0x0], $0xffff;
	[tilespmem:s14+$0x30] =	vst v11  }
0xd9: {  	s19 =	sadd.s32 s13, s10;
	s20 =	simm.s32 $0x0;
	s21 =	simm.s32 $0x32C0;
	v6 =	vld.idx.msk [tilespmem:v10+s26+$0x0], $0xffff;
	[tilespmem:s14+$0xFFFFFFD0] =	vst v12  }
.LBB2_7:
0xda: {  	v8 =	vld [tilespmem:s21+$0x30];
	s20 =	sadd.s32 $0x80, s20;
	[tilespmem:s14+$0xFFFFFFE0] =	vst v7  }
0xdb: {  	v7 =	vld [tilespmem:s21+$0xFFFFFFD0];
	p2 =	slt.u32 s20, $0x1880;
	[tilespmem:s14+$0xFFFFFFF0] =	vst v5  }
0xdc: {  	v5 =	vld [tilespmem:s21+$0xFFFFFFE0];
	[tilespmem:s14+$0x0] =	vst v2  }
0xdd: {  	v2 =	vld [tilespmem:s21+$0xFFFFFFF0];
	[tilespmem:s14+$0x10] =	vst v3  }
0xde: {  	v3 =	vld [tilespmem:s21+$0x0];
	[tilespmem:s14+$0x20] =	vst v4  }
0xdf: {  	v4 =	vld [tilespmem:s21+$0x10];
	[tilespmem:s14+$0xFFFFFFC0] =	vst v6  }
0xe0: {  	v6 =	vld [tilespmem:s21+$0x20]  }
0xe1: {  	v9 =	vld [tilespmem:s21+$0xFFFFFFC0]  }
0xe2: {  	v8 =	vld.idx.msk [tilespmem:v8+s26+$0x0], $0xffff  }
0xe3: {  	v10 =	vld.idx.msk [tilespmem:v7+s26+$0x0], $0xffff  }
0xe4: {  	v7 =	vld.idx.msk [tilespmem:v5+s26+$0x0], $0xffff  }
.Ltmp4:
0xe5: {  	v5 =	vld.idx.msk [tilespmem:v2+s26+$0x0], $0xffff;
	(pc) =	sbr.rel @p2 .LBB2_7-.Ltmp4, $4  }
0xe6: {  	v2 =	vld.idx.msk [tilespmem:v3+s26+$0x0], $0xffff  }
0xe7: {  	s14 =	sadd.s32 $0x80, s14;
	v3 =	vld.idx.msk [tilespmem:v4+s26+$0x0], $0xffff  }
0xe8: {  	v4 =	vld.idx.msk [tilespmem:v6+s26+$0x0], $0xffff;
	[tilespmem:s14+$0x30] =	vst v8  }
0xe9: {  	s21 =	sadd.s32 $0x80, s21;
	v6 =	vld.idx.msk [tilespmem:v9+s26+$0x0], $0xffff;
	[tilespmem:s14+$0xFFFFFFD0] =	vst v10  }
0xea: {  	[tilespmem:s14+$0xFFFFFFE0] =	vst v7  }
0xeb: {  	[tilespmem:s14+$0xFFFFFFF0] =	vst v5  }
0xec: {  	[tilespmem:s14+$0x0] =	vst v2  }
0xed: {  	[tilespmem:s14+$0x10] =	vst v3  }
0xee: {  	s19 =	sshrl.u32 s19, $0x3;
	[tilespmem:s14+$0x20] =	vst v4  }
0xef: {  	s20 =	sadd.s32 s5, s19;
	[tilespmem:s14+$0xFFFFFFC0] =	vst v6;
	s14 =	sadd.s32 @!p1 s13, s17  }
0xf0: {  	[hbm4b:s20+s6] =	stream.linear.scatter [tilespmem:s0], [sflag:$0x7], $0x1900, $0x38;
	[tilespmem:$0xC980] =	vst v63  }
0xf1: {  	s14 =	sshrl.u32 @!p1 s14, $0x3  }
0xf2: {  	s19 =	simm.s32 @!p1 $0x0;
	s20 =	simm.s32 @!p1 $0x3200;
	s14 =	sadd.s32 @!p1 s1, s14  }
0xf3: {  	[tilespmem:s20], [sflag:$0x3] =	stream.linear.gather @!p1 [hbm4b:s14+s19], $0x1900, $0x38;
	[tilespmem:$0xC980] =	vst v63  }
0xf4: {  	_ =	swait.ge [sflag:s2], $0x1900  }
0xf5: {  	[sflag:s2] =	ssyncset.done $0x0  }
0xf6: {  	s14 =	simm.s32 @!p0 $0x8;
	[sflag:s2] =	ssyncadd.s32 $0xFFFFE700  }
0xf7: {  	_ =	swait.ge @!p0 [sflag:s14], $0x1900  }
0xf8: {  	[sflag:s14] =	ssyncset.done @!p0 $0x0  }
0xf9: {  	s21 =	simm.s32 $0x4B40;
	[sflag:s14] =	ssyncadd.s32 @!p0 $0xFFFFE700  }
0xfa: {  	v2 =	vld [tilespmem:s21+$0x30]  }
0xfb: {  	v3 =	vld [tilespmem:s21+$0xFFFFFFD0]  }
0xfc: {  	v4 =	vld [tilespmem:s21+$0xFFFFFFE0]  }
0xfd: {  	v5 =	vld [tilespmem:s21+$0xFFFFFFF0]  }
0xfe: {  	v6 =	vld [tilespmem:s21+$0x0]  }
0xff: {  	v8 =	vld [tilespmem:s21+$0x10]  }
0x100: {  	v9 =	vld [tilespmem:s21+$0x20]  }
0x101: {  	v10 =	vld [tilespmem:s21+$0xFFFFFFC0]  }
0x102: {  	v11 =	vld.idx.msk [tilespmem:v2+s26+$0x0], $0xffff  }
0x103: {  	v12 =	vld.idx.msk [tilespmem:v3+s26+$0x0], $0xffff  }
0x104: {  	v7 =	vld.idx.msk [tilespmem:v4+s26+$0x0], $0xffff  }
0x105: {  	v5 =	vld.idx.msk [tilespmem:v5+s26+$0x0], $0xffff  }
0x106: {  	v2 =	vld.idx.msk [tilespmem:v6+s26+$0x0], $0xffff  }
0x107: {  	s14 =	simm.s32 $0xAF40;
	v3 =	vld.idx.msk [tilespmem:v8+s26+$0x0], $0xffff  }
0x108: {  	v4 =	vld.idx.msk [tilespmem:v9+s26+$0x0], $0xffff;
	[tilespmem:s14+$0x30] =	vst v11  }
0x109: {  	s19 =	sadd.s32 s13, s11;
	s20 =	simm.s32 $0x0;
	s21 =	simm.s32 $0x4BC0;
	v6 =	vld.idx.msk [tilespmem:v10+s26+$0x0], $0xffff;
	[tilespmem:s14+$0xFFFFFFD0] =	vst v12  }
.LBB2_9:
0x10a: {  	v8 =	vld [tilespmem:s21+$0x30];
	s20 =	sadd.s32 $0x80, s20;
	[tilespmem:s14+$0xFFFFFFE0] =	vst v7  }
0x10b: {  	v7 =	vld [tilespmem:s21+$0xFFFFFFD0];
	p0 =	slt.u32 s20, $0x1880;
	[tilespmem:s14+$0xFFFFFFF0] =	vst v5  }
0x10c: {  	v5 =	vld [tilespmem:s21+$0xFFFFFFE0];
	[tilespmem:s14+$0x0] =	vst v2  }
0x10d: {  	v2 =	vld [tilespmem:s21+$0xFFFFFFF0];
	[tilespmem:s14+$0x10] =	vst v3  }
0x10e: {  	v3 =	vld [tilespmem:s21+$0x0];
	[tilespmem:s14+$0x20] =	vst v4  }
0x10f: {  	v4 =	vld [tilespmem:s21+$0x10];
	[tilespmem:s14+$0xFFFFFFC0] =	vst v6  }
0x110: {  	v6 =	vld [tilespmem:s21+$0x20]  }
0x111: {  	v9 =	vld [tilespmem:s21+$0xFFFFFFC0]  }
0x112: {  	v8 =	vld.idx.msk [tilespmem:v8+s26+$0x0], $0xffff  }
0x113: {  	v10 =	vld.idx.msk [tilespmem:v7+s26+$0x0], $0xffff  }
0x114: {  	v7 =	vld.idx.msk [tilespmem:v5+s26+$0x0], $0xffff  }
.Ltmp5:
0x115: {  	v5 =	vld.idx.msk [tilespmem:v2+s26+$0x0], $0xffff;
	(pc) =	sbr.rel @p0 .LBB2_9-.Ltmp5, $4  }
0x116: {  	v2 =	vld.idx.msk [tilespmem:v3+s26+$0x0], $0xffff  }
0x117: {  	s14 =	sadd.s32 $0x80, s14;
	v3 =	vld.idx.msk [tilespmem:v4+s26+$0x0], $0xffff  }
0x118: {  	v4 =	vld.idx.msk [tilespmem:v6+s26+$0x0], $0xffff;
	[tilespmem:s14+$0x30] =	vst v8  }
0x119: {  	s21 =	sadd.s32 $0x80, s21;
	v6 =	vld.idx.msk [tilespmem:v9+s26+$0x0], $0xffff;
	[tilespmem:s14+$0xFFFFFFD0] =	vst v10  }
0x11a: {  	[tilespmem:s14+$0xFFFFFFE0] =	vst v7  }
0x11b: {  	[tilespmem:s14+$0xFFFFFFF0] =	vst v5  }
.Ltmp6:
0x11c: {  	[tilespmem:s14+$0x0] =	vst v2;
	(pc) =	sbr.rel @p1 .LBB2_12-.Ltmp6, $4  }
0x11d: {  	[tilespmem:s14+$0x10] =	vst v3  }
0x11e: {  	s19 =	sshrl.u32 s19, $0x3;
	[tilespmem:s14+$0x20] =	vst v4  }
0x11f: {  	s21 =	sadd.s32 s5, s19;
	[tilespmem:s14+$0xFFFFFFC0] =	vst v6  }
0x120: {  	[hbm4b:s21+s6] =	stream.linear.scatter [tilespmem:s4], [sflag:$0x8], $0x1900, $0x38;
	[tilespmem:$0xC980] =	vst v63  }
.Ltmp7:
0x121: {  	(pc) =	sbr.rel .LBB2_2-.Ltmp7, $4  }
0x122: {  	s13 =	sadd.s32 s13, s18  }
0x123: {  	s13 =	sshrl.u32 s13, $0x3  }
0x124: {  	s12 =	sadd.s32 $0x1, s12;
	s13 =	sadd.s32 s1, s13  }
0x125: {  	[tilespmem:s22], [sflag:$0x4] =	stream.linear.gather [hbm4b:s13+s6], $0x1900, $0x38;
	[tilespmem:$0xC980] =	vst v63  }
.LBB2_13:
0x126: {  	_ =	sfence.sel $0x180000  }
0x127: {  	[bflag:$0x0] =	sbarrier.arrive $0xFFFF  }
0x128: {  	_ =	strace $0x90000047  }
0x129: {  	s0 =	stileid.u32;
	[bflag:$0x2] =	sbarrier.arrive $0xFFFF  }
0x12a: {  	p0 =	sne.s32 s0, $0x0;
	s0 =	rddreg [dreg:$0x4]  }
0x12b: {  	s0 =	sadd.s32 @!p0 $0x100000, s0  }
0x12c: {  	[sflag:s0] =	ssyncadd.tile.s32 @!p0 $0x1;
	_ =	shalt  }
.Lfunc_end2:
_tile_overlayer_lowered:
.L_overlay_start_2:
0x12d: {  	(tag) =	ssettag $0x2  }
0x12e: {  	s0 =	rddreg [dreg:$0x0];
	s2 =	stileid.u32  }
0x12f: {  	s1 =	rddreg [dreg:$0x1];
	p0 =	sne.s32 s2, $0x0  }
0x130: {  	s3 =	rddreg [dreg:$0x2];
	[bflag:$0x3] =	sbarrier.arrive $0xFFFF;
	s2 =	simm.s32 @!p0 $0x1C09  }
0x131: {  	[timem:s3], [sflag:s2] =	dma.local @!p0 [hbm:s0], s1  }
0x132: {  	s0 =	simm.s32 @!p0 $0x9  }
0x133: {  	_ =	swait.ge @!p0 [sflag:s0], s1  }
0x134: {  	s1 =	ssub.s32 @!p0 $0x0, s1;
	[sflag:s0] =	ssyncset.done @!p0 $0x0  }
0x135: {  	[sflag:s0] =	ssyncadd.s32 @!p0 s1  }
0x136: {  	[bflag:$0x3] =	sbarrier.arrive $0xFFFF  }
0x137: {  	_ =	shalt  }

</sc_bundles>
